<compile_context>
chip_gen: v7x
topology: tpu7x:2x2x1
jax: 0.10.2.dev20260603
libtpu: 0.0.44.dev20260713+nightly
codegen_flags: <defaults>
</compile_context>

<pallas_src>
import functools

import jax
import jax.numpy as jnp
from jax import lax
from jax.experimental import pallas as pl
from jax.experimental.pallas import tpu as pltpu
from jax.experimental.pallas import tpu_sc as plsc

_V = 8192
_D = 1024
_B = 4 * 8192
_NW = 32
_BPW = _B // _NW
_C = 16
_NBUF = 4
_NCHUNK = _BPW // _C
_NGROUP = _NCHUNK // _NBUF

_mesh = plsc.VectorSubcoreMesh(core_axis_name="c", subcore_axis_name="s")


@functools.partial(
    pl.kernel,
    mesh=_mesh,
    out_type=jax.ShapeDtypeStruct((_B, _D), jnp.float32),
    scratch_types=[
        pltpu.VMEM((_NCHUNK, _C), jnp.int32),
        *[pltpu.VMEM((_C, _D), jnp.float32) for _ in range(_NBUF)],
        *[pltpu.SemaphoreType.DMA for _ in range(2 * _NBUF)],
    ],
)
def _gather_rows(idx_hbm, table_hbm, out_hbm, idx_v, *bufs_and_sems):
    bufs = bufs_and_sems[:_NBUF]
    sem_g = bufs_and_sems[_NBUF:2 * _NBUF]
    sem_s = bufs_and_sems[2 * _NBUF:]

    cid = lax.axis_index("c")
    sid = lax.axis_index("s")
    wid = sid * 2 + cid
    base = wid * _BPW
    pltpu.sync_copy(idx_hbm.at[wid], idx_v)

    def out_at(c):
        return out_hbm.at[pl.ds(base + c * _C, _C)]

    for b in range(_NBUF):
        pltpu.async_copy(table_hbm.at[idx_v.at[b]], bufs[b], sem_g[b])

    def body(g, carry):
        c0 = g * _NBUF
        for b in range(_NBUF):
            c = c0 + b
            pltpu.make_async_copy(
                table_hbm.at[idx_v.at[c]], bufs[b], sem_g[b]).wait()
            pltpu.async_copy(bufs[b], out_at(c), sem_s[b])
        for b in range(_NBUF):
            c = c0 + b
            pltpu.make_async_copy(bufs[b], out_at(c), sem_s[b]).wait()
            pltpu.async_copy(
                table_hbm.at[idx_v.at[c + _NBUF]], bufs[b], sem_g[b])
        return carry

    lax.fori_loop(0, _NGROUP - 1, body, 0)

    c0 = (_NGROUP - 1) * _NBUF
    for b in range(_NBUF):
        c = c0 + b
        pltpu.make_async_copy(
            table_hbm.at[idx_v.at[c]], bufs[b], sem_g[b]).wait()
        pltpu.async_copy(bufs[b], out_at(c), sem_s[b])
    for b in range(_NBUF):
        c = c0 + b
        pltpu.make_async_copy(bufs[b], out_at(c), sem_s[b]).wait()


def kernel(position_ids, table):
    idx = position_ids.reshape(_NW, _NCHUNK, _C).astype(jnp.int32)
    out = _gather_rows(idx, table)
    return out.reshape(position_ids.shape + (_D,))

# --- scband reference (transcript-rebuilt; emitter-appended) ---
"""Pipeline reference for scband-absolute-position-embedding-26499948216364 (READ-ONLY COPY).

The authoritative reference and input builder live on the scoring server;
editing this copy changes nothing except your own understanding.
"""

import jax, jax.numpy as jnp
import numpy as np


def setup_inputs(seed: int = 0) -> dict:
    key = jax.random.key(seed)
    k1, k2 = jax.random.split(key)
    position_ids = jax.random.randint(k1, (4, 8192), 0, 8192, dtype=jnp.int64 if jax.config.jax_enable_x64 else jnp.int32)
    # learned embedding table: nn.Embedding(block_size=8192, embed_size=1024)
    table = jax.random.normal(k2, (8192, 1024), dtype=jnp.float32)
    return {"position_ids": position_ids, "table": table}


def reference(position_ids, table):
    # AbsolutePositionEmbedding.forward: self.embedding(position_ids)
    return jnp.take(table, position_ids, axis=0)

if __name__ == "__main__":
    import jax
    _d = setup_inputs()
    print(jax.jit(kernel)(*tuple(_d.values())))

</pallas_src>

<mosaic_0001>
#map = affine_map<(d0, d1) -> (0, 0, 0)>
#map1 = affine_map<(d0, d1) -> (0, 0)>
module attributes {stable_mosaic.version = 14 : i64} {
  func.func @_gather_rows(%arg0: i32, %arg1: i32, %arg2: memref<32x64x16xi32, #tpu.memory_space<hbm>>, %arg3: memref<8192x1024xf32, #tpu.memory_space<hbm>>, %arg4: memref<32768x1024xf32, #tpu.memory_space<hbm>>, %arg5: memref<64x16xi32, #tpu.memory_space<vmem>>, %arg6: memref<16x1024xf32, #tpu.memory_space<vmem>>, %arg7: memref<16x1024xf32, #tpu.memory_space<vmem>>, %arg8: memref<16x1024xf32, #tpu.memory_space<vmem>>, %arg9: memref<16x1024xf32, #tpu.memory_space<vmem>>, %arg10: memref<!tpu.dma_semaphore, #tpu.memory_space<semaphore_mem>>, %arg11: memref<!tpu.dma_semaphore, #tpu.memory_space<semaphore_mem>>, %arg12: memref<!tpu.dma_semaphore, #tpu.memory_space<semaphore_mem>>, %arg13: memref<!tpu.dma_semaphore, #tpu.memory_space<semaphore_mem>>, %arg14: memref<!tpu.dma_semaphore, #tpu.memory_space<semaphore_mem>>, %arg15: memref<!tpu.dma_semaphore, #tpu.memory_space<semaphore_mem>>, %arg16: memref<!tpu.dma_semaphore, #tpu.memory_space<semaphore_mem>>, %arg17: memref<!tpu.dma_semaphore, #tpu.memory_space<semaphore_mem>>) attributes {dimension_semantics = [#tpu.dimension_semantics<core_parallel>, #tpu.dimension_semantics<subcore_parallel>], iteration_bounds = array<i64: 2, 16>, scalar_prefetch = 0 : i64, scratch_operands = 13 : i64, tpu.core_type = #tpu.core_type<sc_vector_subcore>, window_params = [{transform_indices = #map}, {transform_indices = #map1}, {transform_indices = #map1}]} {
    %mul3A = arith.constant 2 : i32
    %mul3A_0 = arith.muli %arg1, %mul3A : i32
    %add3A = arith.addi %mul3A_0, %arg0 : i32
    %mul3A_1 = arith.constant 1024 : i32
    %mul3A_2 = arith.muli %add3A, %mul3A_1 : i32
    "tpu.region"() ({
      %run_scoped3A = tpu.sem_alloc : memref<!tpu.dma_semaphore, #tpu.memory_space<semaphore_mem>>
      %dma_start3A_110 = arith.constant 0 : i32
      %dma_start3A_111 = arith.constant 0 : i32
      %dma_start3A_112 = tpu.memref_slice %arg2[%add3A, %dma_start3A_110, %dma_start3A_111] : memref<32x64x16xi32, #tpu.memory_space<hbm>> -> memref<1x64x16xi32, #tpu.memory_space<hbm>>
      %dma_start3A_113 = tpu.memref_squeeze %dma_start3A_112 : memref<1x64x16xi32, #tpu.memory_space<hbm>> -> memref<64x16xi32, #tpu.memory_space<hbm>>
      %dma_start3A_114 = arith.constant 0 : i32
      %dma_start3A_115 = arith.constant 0 : i32
      %dma_start3A_116 = tpu.memref_slice %arg2[%add3A, %dma_start3A_114, %dma_start3A_115] : memref<32x64x16xi32, #tpu.memory_space<hbm>> -> memref<1x64x16xi32, #tpu.memory_space<hbm>>
      %dma_start3A_117 = tpu.memref_squeeze %dma_start3A_116 : memref<1x64x16xi32, #tpu.memory_space<hbm>> -> memref<64x16xi32, #tpu.memory_space<hbm>>
      tpu.enqueue_dma source(%dma_start3A_117 : memref<64x16xi32, #tpu.memory_space<hbm>>) target(%arg5 : memref<64x16xi32, #tpu.memory_space<vmem>>) target_semaphore(%run_scoped3A : memref<!tpu.dma_semaphore, #tpu.memory_space<semaphore_mem>>)
      %dma_wait3A_118 = arith.constant 0 : i32
      %dma_wait3A_119 = arith.constant 0 : i32
      %dma_wait3A_120 = tpu.memref_slice %arg2[%add3A, %dma_wait3A_118, %dma_wait3A_119] : memref<32x64x16xi32, #tpu.memory_space<hbm>> -> memref<1x64x16xi32, #tpu.memory_space<hbm>>
      %dma_wait3A_121 = tpu.memref_squeeze %dma_wait3A_120 : memref<1x64x16xi32, #tpu.memory_space<hbm>> -> memref<64x16xi32, #tpu.memory_space<hbm>>
      %dma_wait3A_122 = arith.constant 0 : i32
      %dma_wait3A_123 = arith.constant 0 : i32
      %dma_wait3A_124 = tpu.memref_slice %arg2[%add3A, %dma_wait3A_122, %dma_wait3A_123] : memref<32x64x16xi32, #tpu.memory_space<hbm>> -> memref<1x64x16xi32, #tpu.memory_space<hbm>>
      %dma_wait3A_125 = tpu.memref_squeeze %dma_wait3A_124 : memref<1x64x16xi32, #tpu.memory_space<hbm>> -> memref<64x16xi32, #tpu.memory_space<hbm>>
      tpu.wait_dma2 semaphore(%run_scoped3A : memref<!tpu.dma_semaphore, #tpu.memory_space<semaphore_mem>>) src(%dma_wait3A_125 : memref<64x16xi32, #tpu.memory_space<hbm>>) dst(%arg5 : memref<64x16xi32, #tpu.memory_space<vmem>>)
      tpu.yield
    }) : () -> ()
    %dma_start3A = arith.constant 0 : i32
    %dma_start3A_3 = arith.constant 0 : i32
    %dma_start3A_4 = tpu.memref_slice %arg5[%dma_start3A, %dma_start3A_3] : memref<64x16xi32, #tpu.memory_space<vmem>> -> memref<1x16xi32, #tpu.memory_space<vmem>>
    %dma_start3A_5 = tpu.memref_squeeze %dma_start3A_4 : memref<1x16xi32, #tpu.memory_space<vmem>> -> memref<16xi32, #tpu.memory_space<vmem>>
    %dma_start3A_6 = arith.constant 0 : i32
    %dma_start3A_7 = arith.constant 0 : i32
    %dma_start3A_8 = tpu.memref_slice %arg3[%dma_start3A_6, %dma_start3A_7] : memref<8192x1024xf32, #tpu.memory_space<hbm>> -> memref<8192x1024xf32, #tpu.memory_space<hbm>>
    tpu.enqueue_indirect_dma source(%dma_start3A_8 : memref<8192x1024xf32, #tpu.memory_space<hbm>>) target(%arg6 : memref<16x1024xf32, #tpu.memory_space<vmem>>) offsets(%dma_start3A_5 : memref<16xi32, #tpu.memory_space<vmem>>) semaphore(%arg10 : memref<!tpu.dma_semaphore, #tpu.memory_space<semaphore_mem>>)
    %dma_start3A_9 = arith.constant 1 : i32
    %dma_start3A_10 = arith.constant 0 : i32
    %dma_start3A_11 = tpu.memref_slice %arg5[%dma_start3A_9, %dma_start3A_10] : memref<64x16xi32, #tpu.memory_space<vmem>> -> memref<1x16xi32, #tpu.memory_space<vmem>>
    %dma_start3A_12 = tpu.memref_squeeze %dma_start3A_11 : memref<1x16xi32, #tpu.memory_space<vmem>> -> memref<16xi32, #tpu.memory_space<vmem>>
    %dma_start3A_13 = arith.constant 0 : i32
    %dma_start3A_14 = arith.constant 0 : i32
    %dma_start3A_15 = tpu.memref_slice %arg3[%dma_start3A_13, %dma_start3A_14] : memref<8192x1024xf32, #tpu.memory_space<hbm>> -> memref<8192x1024xf32, #tpu.memory_space<hbm>>
    tpu.enqueue_indirect_dma source(%dma_start3A_15 : memref<8192x1024xf32, #tpu.memory_space<hbm>>) target(%arg7 : memref<16x1024xf32, #tpu.memory_space<vmem>>) offsets(%dma_start3A_12 : memref<16xi32, #tpu.memory_space<vmem>>) semaphore(%arg11 : memref<!tpu.dma_semaphore, #tpu.memory_space<semaphore_mem>>)
    %dma_start3A_16 = arith.constant 2 : i32
    %dma_start3A_17 = arith.constant 0 : i32
    %dma_start3A_18 = tpu.memref_slice %arg5[%dma_start3A_16, %dma_start3A_17] : memref<64x16xi32, #tpu.memory_space<vmem>> -> memref<1x16xi32, #tpu.memory_space<vmem>>
    %dma_start3A_19 = tpu.memref_squeeze %dma_start3A_18 : memref<1x16xi32, #tpu.memory_space<vmem>> -> memref<16xi32, #tpu.memory_space<vmem>>
    %dma_start3A_20 = arith.constant 0 : i32
    %dma_start3A_21 = arith.constant 0 : i32
    %dma_start3A_22 = tpu.memref_slice %arg3[%dma_start3A_20, %dma_start3A_21] : memref<8192x1024xf32, #tpu.memory_space<hbm>> -> memref<8192x1024xf32, #tpu.memory_space<hbm>>
    tpu.enqueue_indirect_dma source(%dma_start3A_22 : memref<8192x1024xf32, #tpu.memory_space<hbm>>) target(%arg8 : memref<16x1024xf32, #tpu.memory_space<vmem>>) offsets(%dma_start3A_19 : memref<16xi32, #tpu.memory_space<vmem>>) semaphore(%arg12 : memref<!tpu.dma_semaphore, #tpu.memory_space<semaphore_mem>>)
    %dma_start3A_23 = arith.constant 3 : i32
    %dma_start3A_24 = arith.constant 0 : i32
    %dma_start3A_25 = tpu.memref_slice %arg5[%dma_start3A_23, %dma_start3A_24] : memref<64x16xi32, #tpu.memory_space<vmem>> -> memref<1x16xi32, #tpu.memory_space<vmem>>
    %dma_start3A_26 = tpu.memref_squeeze %dma_start3A_25 : memref<1x16xi32, #tpu.memory_space<vmem>> -> memref<16xi32, #tpu.memory_space<vmem>>
    %dma_start3A_27 = arith.constant 0 : i32
    %dma_start3A_28 = arith.constant 0 : i32
    %dma_start3A_29 = tpu.memref_slice %arg3[%dma_start3A_27, %dma_start3A_28] : memref<8192x1024xf32, #tpu.memory_space<hbm>> -> memref<8192x1024xf32, #tpu.memory_space<hbm>>
    tpu.enqueue_indirect_dma source(%dma_start3A_29 : memref<8192x1024xf32, #tpu.memory_space<hbm>>) target(%arg9 : memref<16x1024xf32, #tpu.memory_space<vmem>>) offsets(%dma_start3A_26 : memref<16xi32, #tpu.memory_space<vmem>>) semaphore(%arg13 : memref<!tpu.dma_semaphore, #tpu.memory_space<semaphore_mem>>)
    %scan3A = arith.constant 0 : i32
    %scan3A_30 = arith.constant 0 : i32
    %scan3A_31 = arith.constant 15 : i32
    %scan3A_32 = arith.addi %scan3A_30, %scan3A_31 : i32
    %scan3A_33 = arith.constant 1 : i32
    scf.for %scan3A_110 = %scan3A_30 to %scan3A_32 step %scan3A_33  : i32 {
      %mul3A_111 = arith.constant 4 : i32
      %mul3A_112 = arith.muli %scan3A_110, %mul3A_111 : i32
      %add3A_113 = arith.constant 0 : i32
      %add3A_114 = arith.addi %mul3A_112, %add3A_113 : i32
      %dma_wait3A_115 = arith.constant 0 : i32
      %dma_wait3A_116 = tpu.memref_slice %arg5[%add3A_114, %dma_wait3A_115] : memref<64x16xi32, #tpu.memory_space<vmem>> -> memref<1x16xi32, #tpu.memory_space<vmem>>
      %dma_wait3A_117 = tpu.memref_squeeze %dma_wait3A_116 : memref<1x16xi32, #tpu.memory_space<vmem>> -> memref<16xi32, #tpu.memory_space<vmem>>
      %dma_wait3A_118 = arith.constant 0 : i32
      %dma_wait3A_119 = arith.constant 0 : i32
      %dma_wait3A_120 = tpu.memref_slice %arg3[%dma_wait3A_118, %dma_wait3A_119] : memref<8192x1024xf32, #tpu.memory_space<hbm>> -> memref<8192x1024xf32, #tpu.memory_space<hbm>>
      tpu.wait_indirect_dma semaphore(%arg10 : memref<!tpu.dma_semaphore, #tpu.memory_space<semaphore_mem>>) src(%dma_wait3A_120 : memref<8192x1024xf32, #tpu.memory_space<hbm>>) dst(%arg6 : memref<16x1024xf32, #tpu.memory_space<vmem>>)
      %mul3A_121 = arith.constant 16 : i32
      %mul3A_122 = arith.muli %add3A_114, %mul3A_121 : i32
      %add3A_123 = arith.addi %mul3A_2, %mul3A_122 : i32
      %dma_start3A_124 = arith.constant 0 : i32
      %dma_start3A_125 = tpu.memref_slice %arg4[%add3A_123, %dma_start3A_124] : memref<32768x1024xf32, #tpu.memory_space<hbm>> -> memref<16x1024xf32, #tpu.memory_space<hbm>>
      %dma_start3A_126 = arith.constant 0 : i32
      %dma_start3A_127 = tpu.memref_slice %arg4[%add3A_123, %dma_start3A_126] : memref<32768x1024xf32, #tpu.memory_space<hbm>> -> memref<16x1024xf32, #tpu.memory_space<hbm>>
      tpu.enqueue_dma source(%arg6 : memref<16x1024xf32, #tpu.memory_space<vmem>>) target(%dma_start3A_127 : memref<16x1024xf32, #tpu.memory_space<hbm>>) target_semaphore(%arg14 : memref<!tpu.dma_semaphore, #tpu.memory_space<semaphore_mem>>)
      %add3A_128 = arith.constant 1 : i32
      %add3A_129 = arith.addi %mul3A_112, %add3A_128 : i32
      %dma_wait3A_130 = arith.constant 0 : i32
      %dma_wait3A_131 = tpu.memref_slice %arg5[%add3A_129, %dma_wait3A_130] : memref<64x16xi32, #tpu.memory_space<vmem>> -> memref<1x16xi32, #tpu.memory_space<vmem>>
      %dma_wait3A_132 = tpu.memref_squeeze %dma_wait3A_131 : memref<1x16xi32, #tpu.memory_space<vmem>> -> memref<16xi32, #tpu.memory_space<vmem>>
      %dma_wait3A_133 = arith.constant 0 : i32
      %dma_wait3A_134 = arith.constant 0 : i32
      %dma_wait3A_135 = tpu.memref_slice %arg3[%dma_wait3A_133, %dma_wait3A_134] : memref<8192x1024xf32, #tpu.memory_space<hbm>> -> memref<8192x1024xf32, #tpu.memory_space<hbm>>
      tpu.wait_indirect_dma semaphore(%arg11 : memref<!tpu.dma_semaphore, #tpu.memory_space<semaphore_mem>>) src(%dma_wait3A_135 : memref<8192x1024xf32, #tpu.memory_space<hbm>>) dst(%arg7 : memref<16x1024xf32, #tpu.memory_space<vmem>>)
      %mul3A_136 = arith.constant 16 : i32
      %mul3A_137 = arith.muli %add3A_129, %mul3A_136 : i32
      %add3A_138 = arith.addi %mul3A_2, %mul3A_137 : i32
      %dma_start3A_139 = arith.constant 0 : i32
      %dma_start3A_140 = tpu.memref_slice %arg4[%add3A_138, %dma_start3A_139] : memref<32768x1024xf32, #tpu.memory_space<hbm>> -> memref<16x1024xf32, #tpu.memory_space<hbm>>
      %dma_start3A_141 = arith.constant 0 : i32
      %dma_start3A_142 = tpu.memref_slice %arg4[%add3A_138, %dma_start3A_141] : memref<32768x1024xf32, #tpu.memory_space<hbm>> -> memref<16x1024xf32, #tpu.memory_space<hbm>>
      tpu.enqueue_dma source(%arg7 : memref<16x1024xf32, #tpu.memory_space<vmem>>) target(%dma_start3A_142 : memref<16x1024xf32, #tpu.memory_space<hbm>>) target_semaphore(%arg15 : memref<!tpu.dma_semaphore, #tpu.memory_space<semaphore_mem>>)
      %add3A_143 = arith.constant 2 : i32
      %add3A_144 = arith.addi %mul3A_112, %add3A_143 : i32
      %dma_wait3A_145 = arith.constant 0 : i32
      %dma_wait3A_146 = tpu.memref_slice %arg5[%add3A_144, %dma_wait3A_145] : memref<64x16xi32, #tpu.memory_space<vmem>> -> memref<1x16xi32, #tpu.memory_space<vmem>>
      %dma_wait3A_147 = tpu.memref_squeeze %dma_wait3A_146 : memref<1x16xi32, #tpu.memory_space<vmem>> -> memref<16xi32, #tpu.memory_space<vmem>>
      %dma_wait3A_148 = arith.constant 0 : i32
      %dma_wait3A_149 = arith.constant 0 : i32
      %dma_wait3A_150 = tpu.memref_slice %arg3[%dma_wait3A_148, %dma_wait3A_149] : memref<8192x1024xf32, #tpu.memory_space<hbm>> -> memref<8192x1024xf32, #tpu.memory_space<hbm>>
      tpu.wait_indirect_dma semaphore(%arg12 : memref<!tpu.dma_semaphore, #tpu.memory_space<semaphore_mem>>) src(%dma_wait3A_150 : memref<8192x1024xf32, #tpu.memory_space<hbm>>) dst(%arg8 : memref<16x1024xf32, #tpu.memory_space<vmem>>)
      %mul3A_151 = arith.constant 16 : i32
      %mul3A_152 = arith.muli %add3A_144, %mul3A_151 : i32
      %add3A_153 = arith.addi %mul3A_2, %mul3A_152 : i32
      %dma_start3A_154 = arith.constant 0 : i32
      %dma_start3A_155 = tpu.memref_slice %arg4[%add3A_153, %dma_start3A_154] : memref<32768x1024xf32, #tpu.memory_space<hbm>> -> memref<16x1024xf32, #tpu.memory_space<hbm>>
      %dma_start3A_156 = arith.constant 0 : i32
      %dma_start3A_157 = tpu.memref_slice %arg4[%add3A_153, %dma_start3A_156] : memref<32768x1024xf32, #tpu.memory_space<hbm>> -> memref<16x1024xf32, #tpu.memory_space<hbm>>
      tpu.enqueue_dma source(%arg8 : memref<16x1024xf32, #tpu.memory_space<vmem>>) target(%dma_start3A_157 : memref<16x1024xf32, #tpu.memory_space<hbm>>) target_semaphore(%arg16 : memref<!tpu.dma_semaphore, #tpu.memory_space<semaphore_mem>>)
      %add3A_158 = arith.constant 3 : i32
      %add3A_159 = arith.addi %mul3A_112, %add3A_158 : i32
      %dma_wait3A_160 = arith.constant 0 : i32
      %dma_wait3A_161 = tpu.memref_slice %arg5[%add3A_159, %dma_wait3A_160] : memref<64x16xi32, #tpu.memory_space<vmem>> -> memref<1x16xi32, #tpu.memory_space<vmem>>
      %dma_wait3A_162 = tpu.memref_squeeze %dma_wait3A_161 : memref<1x16xi32, #tpu.memory_space<vmem>> -> memref<16xi32, #tpu.memory_space<vmem>>
      %dma_wait3A_163 = arith.constant 0 : i32
      %dma_wait3A_164 = arith.constant 0 : i32
      %dma_wait3A_165 = tpu.memref_slice %arg3[%dma_wait3A_163, %dma_wait3A_164] : memref<8192x1024xf32, #tpu.memory_space<hbm>> -> memref<8192x1024xf32, #tpu.memory_space<hbm>>
      tpu.wait_indirect_dma semaphore(%arg13 : memref<!tpu.dma_semaphore, #tpu.memory_space<semaphore_mem>>) src(%dma_wait3A_165 : memref<8192x1024xf32, #tpu.memory_space<hbm>>) dst(%arg9 : memref<16x1024xf32, #tpu.memory_space<vmem>>)
      %mul3A_166 = arith.constant 16 : i32
      %mul3A_167 = arith.muli %add3A_159, %mul3A_166 : i32
      %add3A_168 = arith.addi %mul3A_2, %mul3A_167 : i32
      %dma_start3A_169 = arith.constant 0 : i32
      %dma_start3A_170 = tpu.memref_slice %arg4[%add3A_168, %dma_start3A_169] : memref<32768x1024xf32, #tpu.memory_space<hbm>> -> memref<16x1024xf32, #tpu.memory_space<hbm>>
      %dma_start3A_171 = arith.constant 0 : i32
      %dma_start3A_172 = tpu.memref_slice %arg4[%add3A_168, %dma_start3A_171] : memref<32768x1024xf32, #tpu.memory_space<hbm>> -> memref<16x1024xf32, #tpu.memory_space<hbm>>
      tpu.enqueue_dma source(%arg9 : memref<16x1024xf32, #tpu.memory_space<vmem>>) target(%dma_start3A_172 : memref<16x1024xf32, #tpu.memory_space<hbm>>) target_semaphore(%arg17 : memref<!tpu.dma_semaphore, #tpu.memory_space<semaphore_mem>>)
      %add3A_173 = arith.constant 0 : i32
      %add3A_174 = arith.addi %mul3A_112, %add3A_173 : i32
      %mul3A_175 = arith.constant 16 : i32
      %mul3A_176 = arith.muli %add3A_174, %mul3A_175 : i32
      %add3A_177 = arith.addi %mul3A_2, %mul3A_176 : i32
      %dma_wait3A_178 = arith.constant 0 : i32
      %dma_wait3A_179 = tpu.memref_slice %arg4[%add3A_177, %dma_wait3A_178] : memref<32768x1024xf32, #tpu.memory_space<hbm>> -> memref<16x1024xf32, #tpu.memory_space<hbm>>
      %dma_wait3A_180 = arith.constant 0 : i32
      %dma_wait3A_181 = tpu.memref_slice %arg4[%add3A_177, %dma_wait3A_180] : memref<32768x1024xf32, #tpu.memory_space<hbm>> -> memref<16x1024xf32, #tpu.memory_space<hbm>>
      tpu.wait_dma2 semaphore(%arg14 : memref<!tpu.dma_semaphore, #tpu.memory_space<semaphore_mem>>) src(%arg6 : memref<16x1024xf32, #tpu.memory_space<vmem>>) dst(%dma_wait3A_181 : memref<16x1024xf32, #tpu.memory_space<hbm>>)
      %add3A_182 = arith.constant 4 : i32
      %add3A_183 = arith.addi %add3A_174, %add3A_182 : i32
      %dma_start3A_184 = arith.constant 0 : i32
      %dma_start3A_185 = tpu.memref_slice %arg5[%add3A_183, %dma_start3A_184] : memref<64x16xi32, #tpu.memory_space<vmem>> -> memref<1x16xi32, #tpu.memory_space<vmem>>
      %dma_start3A_186 = tpu.memref_squeeze %dma_start3A_185 : memref<1x16xi32, #tpu.memory_space<vmem>> -> memref<16xi32, #tpu.memory_space<vmem>>
      %dma_start3A_187 = arith.constant 0 : i32
      %dma_start3A_188 = arith.constant 0 : i32
      %dma_start3A_189 = tpu.memref_slice %arg3[%dma_start3A_187, %dma_start3A_188] : memref<8192x1024xf32, #tpu.memory_space<hbm>> -> memref<8192x1024xf32, #tpu.memory_space<hbm>>
      tpu.enqueue_indirect_dma source(%dma_start3A_189 : memref<8192x1024xf32, #tpu.memory_space<hbm>>) target(%arg6 : memref<16x1024xf32, #tpu.memory_space<vmem>>) offsets(%dma_start3A_186 : memref<16xi32, #tpu.memory_space<vmem>>) semaphore(%arg10 : memref<!tpu.dma_semaphore, #tpu.memory_space<semaphore_mem>>)
      %add3A_190 = arith.constant 1 : i32
      %add3A_191 = arith.addi %mul3A_112, %add3A_190 : i32
      %mul3A_192 = arith.constant 16 : i32
      %mul3A_193 = arith.muli %add3A_191, %mul3A_192 : i32
      %add3A_194 = arith.addi %mul3A_2, %mul3A_193 : i32
      %dma_wait3A_195 = arith.constant 0 : i32
      %dma_wait3A_196 = tpu.memref_slice %arg4[%add3A_194, %dma_wait3A_195] : memref<32768x1024xf32, #tpu.memory_space<hbm>> -> memref<16x1024xf32, #tpu.memory_space<hbm>>
      %dma_wait3A_197 = arith.constant 0 : i32
      %dma_wait3A_198 = tpu.memref_slice %arg4[%add3A_194, %dma_wait3A_197] : memref<32768x1024xf32, #tpu.memory_space<hbm>> -> memref<16x1024xf32, #tpu.memory_space<hbm>>
      tpu.wait_dma2 semaphore(%arg15 : memref<!tpu.dma_semaphore, #tpu.memory_space<semaphore_mem>>) src(%arg7 : memref<16x1024xf32, #tpu.memory_space<vmem>>) dst(%dma_wait3A_198 : memref<16x1024xf32, #tpu.memory_space<hbm>>)
      %add3A_199 = arith.constant 4 : i32
      %add3A_200 = arith.addi %add3A_191, %add3A_199 : i32
      %dma_start3A_201 = arith.constant 0 : i32
      %dma_start3A_202 = tpu.memref_slice %arg5[%add3A_200, %dma_start3A_201] : memref<64x16xi32, #tpu.memory_space<vmem>> -> memref<1x16xi32, #tpu.memory_space<vmem>>
      %dma_start3A_203 = tpu.memref_squeeze %dma_start3A_202 : memref<1x16xi32, #tpu.memory_space<vmem>> -> memref<16xi32, #tpu.memory_space<vmem>>
      %dma_start3A_204 = arith.constant 0 : i32
      %dma_start3A_205 = arith.constant 0 : i32
      %dma_start3A_206 = tpu.memref_slice %arg3[%dma_start3A_204, %dma_start3A_205] : memref<8192x1024xf32, #tpu.memory_space<hbm>> -> memref<8192x1024xf32, #tpu.memory_space<hbm>>
      tpu.enqueue_indirect_dma source(%dma_start3A_206 : memref<8192x1024xf32, #tpu.memory_space<hbm>>) target(%arg7 : memref<16x1024xf32, #tpu.memory_space<vmem>>) offsets(%dma_start3A_203 : memref<16xi32, #tpu.memory_space<vmem>>) semaphore(%arg11 : memref<!tpu.dma_semaphore, #tpu.memory_space<semaphore_mem>>)
      %add3A_207 = arith.constant 2 : i32
      %add3A_208 = arith.addi %mul3A_112, %add3A_207 : i32
      %mul3A_209 = arith.constant 16 : i32
      %mul3A_210 = arith.muli %add3A_208, %mul3A_209 : i32
      %add3A_211 = arith.addi %mul3A_2, %mul3A_210 : i32
      %dma_wait3A_212 = arith.constant 0 : i32
      %dma_wait3A_213 = tpu.memref_slice %arg4[%add3A_211, %dma_wait3A_212] : memref<32768x1024xf32, #tpu.memory_space<hbm>> -> memref<16x1024xf32, #tpu.memory_space<hbm>>
      %dma_wait3A_214 = arith.constant 0 : i32
      %dma_wait3A_215 = tpu.memref_slice %arg4[%add3A_211, %dma_wait3A_214] : memref<32768x1024xf32, #tpu.memory_space<hbm>> -> memref<16x1024xf32, #tpu.memory_space<hbm>>
      tpu.wait_dma2 semaphore(%arg16 : memref<!tpu.dma_semaphore, #tpu.memory_space<semaphore_mem>>) src(%arg8 : memref<16x1024xf32, #tpu.memory_space<vmem>>) dst(%dma_wait3A_215 : memref<16x1024xf32, #tpu.memory_space<hbm>>)
      %add3A_216 = arith.constant 4 : i32
      %add3A_217 = arith.addi %add3A_208, %add3A_216 : i32
      %dma_start3A_218 = arith.constant 0 : i32
      %dma_start3A_219 = tpu.memref_slice %arg5[%add3A_217, %dma_start3A_218] : memref<64x16xi32, #tpu.memory_space<vmem>> -> memref<1x16xi32, #tpu.memory_space<vmem>>
      %dma_start3A_220 = tpu.memref_squeeze %dma_start3A_219 : memref<1x16xi32, #tpu.memory_space<vmem>> -> memref<16xi32, #tpu.memory_space<vmem>>
      %dma_start3A_221 = arith.constant 0 : i32
      %dma_start3A_222 = arith.constant 0 : i32
      %dma_start3A_223 = tpu.memref_slice %arg3[%dma_start3A_221, %dma_start3A_222] : memref<8192x1024xf32, #tpu.memory_space<hbm>> -> memref<8192x1024xf32, #tpu.memory_space<hbm>>
      tpu.enqueue_indirect_dma source(%dma_start3A_223 : memref<8192x1024xf32, #tpu.memory_space<hbm>>) target(%arg8 : memref<16x1024xf32, #tpu.memory_space<vmem>>) offsets(%dma_start3A_220 : memref<16xi32, #tpu.memory_space<vmem>>) semaphore(%arg12 : memref<!tpu.dma_semaphore, #tpu.memory_space<semaphore_mem>>)
      %add3A_224 = arith.constant 3 : i32
      %add3A_225 = arith.addi %mul3A_112, %add3A_224 : i32
      %mul3A_226 = arith.constant 16 : i32
      %mul3A_227 = arith.muli %add3A_225, %mul3A_226 : i32
      %add3A_228 = arith.addi %mul3A_2, %mul3A_227 : i32
      %dma_wait3A_229 = arith.constant 0 : i32
      %dma_wait3A_230 = tpu.memref_slice %arg4[%add3A_228, %dma_wait3A_229] : memref<32768x1024xf32, #tpu.memory_space<hbm>> -> memref<16x1024xf32, #tpu.memory_space<hbm>>
      %dma_wait3A_231 = arith.constant 0 : i32
      %dma_wait3A_232 = tpu.memref_slice %arg4[%add3A_228, %dma_wait3A_231] : memref<32768x1024xf32, #tpu.memory_space<hbm>> -> memref<16x1024xf32, #tpu.memory_space<hbm>>
      tpu.wait_dma2 semaphore(%arg17 : memref<!tpu.dma_semaphore, #tpu.memory_space<semaphore_mem>>) src(%arg9 : memref<16x1024xf32, #tpu.memory_space<vmem>>) dst(%dma_wait3A_232 : memref<16x1024xf32, #tpu.memory_space<hbm>>)
      %add3A_233 = arith.constant 4 : i32
      %add3A_234 = arith.addi %add3A_225, %add3A_233 : i32
      %dma_start3A_235 = arith.constant 0 : i32
      %dma_start3A_236 = tpu.memref_slice %arg5[%add3A_234, %dma_start3A_235] : memref<64x16xi32, #tpu.memory_space<vmem>> -> memref<1x16xi32, #tpu.memory_space<vmem>>
      %dma_start3A_237 = tpu.memref_squeeze %dma_start3A_236 : memref<1x16xi32, #tpu.memory_space<vmem>> -> memref<16xi32, #tpu.memory_space<vmem>>
      %dma_start3A_238 = arith.constant 0 : i32
      %dma_start3A_239 = arith.constant 0 : i32
      %dma_start3A_240 = tpu.memref_slice %arg3[%dma_start3A_238, %dma_start3A_239] : memref<8192x1024xf32, #tpu.memory_space<hbm>> -> memref<8192x1024xf32, #tpu.memory_space<hbm>>
      tpu.enqueue_indirect_dma source(%dma_start3A_240 : memref<8192x1024xf32, #tpu.memory_space<hbm>>) target(%arg9 : memref<16x1024xf32, #tpu.memory_space<vmem>>) offsets(%dma_start3A_237 : memref<16xi32, #tpu.memory_space<vmem>>) semaphore(%arg13 : memref<!tpu.dma_semaphore, #tpu.memory_space<semaphore_mem>>)
    }
    %scan3A_34 = arith.constant 15 : i32
    %dma_wait3A = arith.constant 60 : i32
    %dma_wait3A_35 = arith.constant 0 : i32
    %dma_wait3A_36 = tpu.memref_slice %arg5[%dma_wait3A, %dma_wait3A_35] : memref<64x16xi32, #tpu.memory_space<vmem>> -> memref<1x16xi32, #tpu.memory_space<vmem>>
    %dma_wait3A_37 = tpu.memref_squeeze %dma_wait3A_36 : memref<1x16xi32, #tpu.memory_space<vmem>> -> memref<16xi32, #tpu.memory_space<vmem>>
    %dma_wait3A_38 = arith.constant 0 : i32
    %dma_wait3A_39 = arith.constant 0 : i32
    %dma_wait3A_40 = tpu.memref_slice %arg3[%dma_wait3A_38, %dma_wait3A_39] : memref<8192x1024xf32, #tpu.memory_space<hbm>> -> memref<8192x1024xf32, #tpu.memory_space<hbm>>
    tpu.wait_indirect_dma semaphore(%arg10 : memref<!tpu.dma_semaphore, #tpu.memory_space<semaphore_mem>>) src(%dma_wait3A_40 : memref<8192x1024xf32, #tpu.memory_space<hbm>>) dst(%arg6 : memref<16x1024xf32, #tpu.memory_space<vmem>>)
    %add3A_41 = arith.constant 960 : i32
    %add3A_42 = arith.addi %mul3A_2, %add3A_41 : i32
    %dma_start3A_43 = arith.constant 0 : i32
    %dma_start3A_44 = tpu.memref_slice %arg4[%add3A_42, %dma_start3A_43] : memref<32768x1024xf32, #tpu.memory_space<hbm>> -> memref<16x1024xf32, #tpu.memory_space<hbm>>
    %dma_start3A_45 = arith.constant 0 : i32
    %dma_start3A_46 = tpu.memref_slice %arg4[%add3A_42, %dma_start3A_45] : memref<32768x1024xf32, #tpu.memory_space<hbm>> -> memref<16x1024xf32, #tpu.memory_space<hbm>>
    tpu.enqueue_dma source(%arg6 : memref<16x1024xf32, #tpu.memory_space<vmem>>) target(%dma_start3A_46 : memref<16x1024xf32, #tpu.memory_space<hbm>>) target_semaphore(%arg14 : memref<!tpu.dma_semaphore, #tpu.memory_space<semaphore_mem>>)
    %dma_wait3A_47 = arith.constant 61 : i32
    %dma_wait3A_48 = arith.constant 0 : i32
    %dma_wait3A_49 = tpu.memref_slice %arg5[%dma_wait3A_47, %dma_wait3A_48] : memref<64x16xi32, #tpu.memory_space<vmem>> -> memref<1x16xi32, #tpu.memory_space<vmem>>
    %dma_wait3A_50 = tpu.memref_squeeze %dma_wait3A_49 : memref<1x16xi32, #tpu.memory_space<vmem>> -> memref<16xi32, #tpu.memory_space<vmem>>
    %dma_wait3A_51 = arith.constant 0 : i32
    %dma_wait3A_52 = arith.constant 0 : i32
    %dma_wait3A_53 = tpu.memref_slice %arg3[%dma_wait3A_51, %dma_wait3A_52] : memref<8192x1024xf32, #tpu.memory_space<hbm>> -> memref<8192x1024xf32, #tpu.memory_space<hbm>>
    tpu.wait_indirect_dma semaphore(%arg11 : memref<!tpu.dma_semaphore, #tpu.memory_space<semaphore_mem>>) src(%dma_wait3A_53 : memref<8192x1024xf32, #tpu.memory_space<hbm>>) dst(%arg7 : memref<16x1024xf32, #tpu.memory_space<vmem>>)
    %add3A_54 = arith.constant 976 : i32
    %add3A_55 = arith.addi %mul3A_2, %add3A_54 : i32
    %dma_start3A_56 = arith.constant 0 : i32
    %dma_start3A_57 = tpu.memref_slice %arg4[%add3A_55, %dma_start3A_56] : memref<32768x1024xf32, #tpu.memory_space<hbm>> -> memref<16x1024xf32, #tpu.memory_space<hbm>>
    %dma_start3A_58 = arith.constant 0 : i32
    %dma_start3A_59 = tpu.memref_slice %arg4[%add3A_55, %dma_start3A_58] : memref<32768x1024xf32, #tpu.memory_space<hbm>> -> memref<16x1024xf32, #tpu.memory_space<hbm>>
    tpu.enqueue_dma source(%arg7 : memref<16x1024xf32, #tpu.memory_space<vmem>>) target(%dma_start3A_59 : memref<16x1024xf32, #tpu.memory_space<hbm>>) target_semaphore(%arg15 : memref<!tpu.dma_semaphore, #tpu.memory_space<semaphore_mem>>)
    %dma_wait3A_60 = arith.constant 62 : i32
    %dma_wait3A_61 = arith.constant 0 : i32
    %dma_wait3A_62 = tpu.memref_slice %arg5[%dma_wait3A_60, %dma_wait3A_61] : memref<64x16xi32, #tpu.memory_space<vmem>> -> memref<1x16xi32, #tpu.memory_space<vmem>>
    %dma_wait3A_63 = tpu.memref_squeeze %dma_wait3A_62 : memref<1x16xi32, #tpu.memory_space<vmem>> -> memref<16xi32, #tpu.memory_space<vmem>>
    %dma_wait3A_64 = arith.constant 0 : i32
    %dma_wait3A_65 = arith.constant 0 : i32
    %dma_wait3A_66 = tpu.memref_slice %arg3[%dma_wait3A_64, %dma_wait3A_65] : memref<8192x1024xf32, #tpu.memory_space<hbm>> -> memref<8192x1024xf32, #tpu.memory_space<hbm>>
    tpu.wait_indirect_dma semaphore(%arg12 : memref<!tpu.dma_semaphore, #tpu.memory_space<semaphore_mem>>) src(%dma_wait3A_66 : memref<8192x1024xf32, #tpu.memory_space<hbm>>) dst(%arg8 : memref<16x1024xf32, #tpu.memory_space<vmem>>)
    %add3A_67 = arith.constant 992 : i32
    %add3A_68 = arith.addi %mul3A_2, %add3A_67 : i32
    %dma_start3A_69 = arith.constant 0 : i32
    %dma_start3A_70 = tpu.memref_slice %arg4[%add3A_68, %dma_start3A_69] : memref<32768x1024xf32, #tpu.memory_space<hbm>> -> memref<16x1024xf32, #tpu.memory_space<hbm>>
    %dma_start3A_71 = arith.constant 0 : i32
    %dma_start3A_72 = tpu.memref_slice %arg4[%add3A_68, %dma_start3A_71] : memref<32768x1024xf32, #tpu.memory_space<hbm>> -> memref<16x1024xf32, #tpu.memory_space<hbm>>
    tpu.enqueue_dma source(%arg8 : memref<16x1024xf32, #tpu.memory_space<vmem>>) target(%dma_start3A_72 : memref<16x1024xf32, #tpu.memory_space<hbm>>) target_semaphore(%arg16 : memref<!tpu.dma_semaphore, #tpu.memory_space<semaphore_mem>>)
    %dma_wait3A_73 = arith.constant 63 : i32
    %dma_wait3A_74 = arith.constant 0 : i32
    %dma_wait3A_75 = tpu.memref_slice %arg5[%dma_wait3A_73, %dma_wait3A_74] : memref<64x16xi32, #tpu.memory_space<vmem>> -> memref<1x16xi32, #tpu.memory_space<vmem>>
    %dma_wait3A_76 = tpu.memref_squeeze %dma_wait3A_75 : memref<1x16xi32, #tpu.memory_space<vmem>> -> memref<16xi32, #tpu.memory_space<vmem>>
    %dma_wait3A_77 = arith.constant 0 : i32
    %dma_wait3A_78 = arith.constant 0 : i32
    %dma_wait3A_79 = tpu.memref_slice %arg3[%dma_wait3A_77, %dma_wait3A_78] : memref<8192x1024xf32, #tpu.memory_space<hbm>> -> memref<8192x1024xf32, #tpu.memory_space<hbm>>
    tpu.wait_indirect_dma semaphore(%arg13 : memref<!tpu.dma_semaphore, #tpu.memory_space<semaphore_mem>>) src(%dma_wait3A_79 : memref<8192x1024xf32, #tpu.memory_space<hbm>>) dst(%arg9 : memref<16x1024xf32, #tpu.memory_space<vmem>>)
    %add3A_80 = arith.constant 1008 : i32
    %add3A_81 = arith.addi %mul3A_2, %add3A_80 : i32
    %dma_start3A_82 = arith.constant 0 : i32
    %dma_start3A_83 = tpu.memref_slice %arg4[%add3A_81, %dma_start3A_82] : memref<32768x1024xf32, #tpu.memory_space<hbm>> -> memref<16x1024xf32, #tpu.memory_space<hbm>>
    %dma_start3A_84 = arith.constant 0 : i32
    %dma_start3A_85 = tpu.memref_slice %arg4[%add3A_81, %dma_start3A_84] : memref<32768x1024xf32, #tpu.memory_space<hbm>> -> memref<16x1024xf32, #tpu.memory_space<hbm>>
    tpu.enqueue_dma source(%arg9 : memref<16x1024xf32, #tpu.memory_space<vmem>>) target(%dma_start3A_85 : memref<16x1024xf32, #tpu.memory_space<hbm>>) target_semaphore(%arg17 : memref<!tpu.dma_semaphore, #tpu.memory_space<semaphore_mem>>)
    %add3A_86 = arith.constant 960 : i32
    %add3A_87 = arith.addi %mul3A_2, %add3A_86 : i32
    %dma_wait3A_88 = arith.constant 0 : i32
    %dma_wait3A_89 = tpu.memref_slice %arg4[%add3A_87, %dma_wait3A_88] : memref<32768x1024xf32, #tpu.memory_space<hbm>> -> memref<16x1024xf32, #tpu.memory_space<hbm>>
    %dma_wait3A_90 = arith.constant 0 : i32
    %dma_wait3A_91 = tpu.memref_slice %arg4[%add3A_87, %dma_wait3A_90] : memref<32768x1024xf32, #tpu.memory_space<hbm>> -> memref<16x1024xf32, #tpu.memory_space<hbm>>
    tpu.wait_dma2 semaphore(%arg14 : memref<!tpu.dma_semaphore, #tpu.memory_space<semaphore_mem>>) src(%arg6 : memref<16x1024xf32, #tpu.memory_space<vmem>>) dst(%dma_wait3A_91 : memref<16x1024xf32, #tpu.memory_space<hbm>>)
    %add3A_92 = arith.constant 976 : i32
    %add3A_93 = arith.addi %mul3A_2, %add3A_92 : i32
    %dma_wait3A_94 = arith.constant 0 : i32
    %dma_wait3A_95 = tpu.memref_slice %arg4[%add3A_93, %dma_wait3A_94] : memref<32768x1024xf32, #tpu.memory_space<hbm>> -> memref<16x1024xf32, #tpu.memory_space<hbm>>
    %dma_wait3A_96 = arith.constant 0 : i32
    %dma_wait3A_97 = tpu.memref_slice %arg4[%add3A_93, %dma_wait3A_96] : memref<32768x1024xf32, #tpu.memory_space<hbm>> -> memref<16x1024xf32, #tpu.memory_space<hbm>>
    tpu.wait_dma2 semaphore(%arg15 : memref<!tpu.dma_semaphore, #tpu.memory_space<semaphore_mem>>) src(%arg7 : memref<16x1024xf32, #tpu.memory_space<vmem>>) dst(%dma_wait3A_97 : memref<16x1024xf32, #tpu.memory_space<hbm>>)
    %add3A_98 = arith.constant 992 : i32
    %add3A_99 = arith.addi %mul3A_2, %add3A_98 : i32
    %dma_wait3A_100 = arith.constant 0 : i32
    %dma_wait3A_101 = tpu.memref_slice %arg4[%add3A_99, %dma_wait3A_100] : memref<32768x1024xf32, #tpu.memory_space<hbm>> -> memref<16x1024xf32, #tpu.memory_space<hbm>>
    %dma_wait3A_102 = arith.constant 0 : i32
    %dma_wait3A_103 = tpu.memref_slice %arg4[%add3A_99, %dma_wait3A_102] : memref<32768x1024xf32, #tpu.memory_space<hbm>> -> memref<16x1024xf32, #tpu.memory_space<hbm>>
    tpu.wait_dma2 semaphore(%arg16 : memref<!tpu.dma_semaphore, #tpu.memory_space<semaphore_mem>>) src(%arg8 : memref<16x1024xf32, #tpu.memory_space<vmem>>) dst(%dma_wait3A_103 : memref<16x1024xf32, #tpu.memory_space<hbm>>)
    %add3A_104 = arith.constant 1008 : i32
    %add3A_105 = arith.addi %mul3A_2, %add3A_104 : i32
    %dma_wait3A_106 = arith.constant 0 : i32
    %dma_wait3A_107 = tpu.memref_slice %arg4[%add3A_105, %dma_wait3A_106] : memref<32768x1024xf32, #tpu.memory_space<hbm>> -> memref<16x1024xf32, #tpu.memory_space<hbm>>
    %dma_wait3A_108 = arith.constant 0 : i32
    %dma_wait3A_109 = tpu.memref_slice %arg4[%add3A_105, %dma_wait3A_108] : memref<32768x1024xf32, #tpu.memory_space<hbm>> -> memref<16x1024xf32, #tpu.memory_space<hbm>>
    tpu.wait_dma2 semaphore(%arg17 : memref<!tpu.dma_semaphore, #tpu.memory_space<semaphore_mem>>) src(%arg9 : memref<16x1024xf32, #tpu.memory_space<vmem>>) dst(%dma_wait3A_109 : memref<16x1024xf32, #tpu.memory_space<hbm>>)
    return
  }
}

</mosaic_0001>

<sc_bundles>
// kernel: kernel.3.cloned.1.call-start
scs
__scs_entry_jumppad:
0x0: {  	(pc) =	sbr.rel $0x88, $3  }
0x1: {  	(tag) =	ssettag $0x0;
	lr =	simm.s32 $0x1  }
0x2: {  	[smem:$0x3F9F] =	sst lr;
	_ =	strace $0xD0000000  }
0x3: {  	_ = 	snop  }
0x4: {  	_ = 	snop  }
0x5: {  	_ = 	snop  }
0x6: {  	_ = 	snop  }
0x7: {  	_ = 	snop  }
__scs_overlays_trampoline_lowered:
0x8: {  	[smem:$0x3FAE] =	sst s0  }
0x9: {  	[smem:$0x3FAF] =	sst s1  }
0xa: {  	[smem:$0x3FB0] =	sst s2  }
0xb: {  	[smem:$0x3FB1] =	sst s3  }
0xc: {  	[smem:$0x3FB2] =	sst s4  }
0xd: {  	[smem:$0x3FB3] =	sst s5  }
0xe: {  	[smem:$0x3FB4] =	sst s6  }
0xf: {  	[smem:$0x3FB5] =	sst s7  }
0x10: {  	[smem:$0x3FB6] =	sst s8  }
0x11: {  	[smem:$0x3FB7] =	sst s9;
	s0 =	simm.s32 @!p0 $0x0  }
0x12: {  	s1 =	sld [smem:$0x3F9D];
	s0 =	simm.s32 @p0 $0x1  }
0x13: {  	[smem:$0x3FB8] =	sst s0;
	s0 =	simm.s32 @!p1 $0x0  }
0x14: {  	s2 =	sld [smem:$0x3F9C];
	s0 =	simm.s32 @p1 $0x1  }
0x15: {  	[smem:$0x3FB9] =	sst s0;
	s0 =	simm.s32 @!p2 $0x0  }
0x16: {  	s3 =	sld [smem:$0x3FDB];
	s0 =	simm.s32 @p2 $0x1  }
0x17: {  	s4 =	simm.s32 $0x1BF5;
	[smem:$0x3FBB] =	sst s0  }
0x18: {  	s0 =	sld [smem:$0x3F9E];
	_ =	swait.ge [sflag:s4], $0x0  }
0x19: {  	s7 =	sld [smem:$0x3F9F]  }
0x1a: {  	s8 =	sadd.s32 $0xFFFFE003, lr  }
0x1b: {  	s9 =	sadd.s32 $0xFFFFFEF7, lr;
	s5 =	simm.s32 $0xFFFFFFFF;
	p2 =	slt.u32 s8, $0xFFFFF086  }
0x1c: {  	p1 =	slt.u32 s9, $0xF7A;
	s5 =	simm.s32 @!p2 $0x0  }
0x1d: {  	s5 =	simm.s32 @p1 $0x1;
	p0 =	seq.s32 s7, s2  }
0x1e: {  	s7 =	smul.u32 @!p0 $0xF7A, s2;
	p2 =	seq.s32 @!p0 s5, $0x0  }
0x1f: {  	s9 =	smul.u32 $0xF7A, s1;
	s8 =	simm.s32 @!p0 $0x1BF5;
	p2 =	por !p2, p0  }
0x20: {  	[sflag:s8] =	ssyncset.s32 @!p0 $0xFFFFF086;
	s6 =	sadd.s32 @!p0 s3, s7;
	s7 =	simm.s32 @!p0 $0x108  }
0x21: {  	s3 =	sadd.s32 s3, s9;
	s6 =	sadd.s32 @!p0 $0x88, s6;
	s7 =	simm.s32 @p2 $0x1082  }
0x22: {  	[simem:s7], [sflag:s8] =	dma.local @!p0 [hbm:s6], $0xF7A  }
0x23: {  	s9 =	sor.u32 $0xD0000000, s2;
	s6 =	simm.s32 $0x108;
	_ =	swait.ge @!p0 [sflag:s8], $0x0  }
0x24: {  	s3 =	sadd.s32 $0x88, s3;
	s6 =	simm.s32 @!p1 $0x1082;
	[sflag:s4] =	ssyncset.s32 $0xFFFFF086  }
0x25: {  	[simem:s6], [sflag:s4] =	dma.local [hbm:s3], $0xF7A  }
0x26: {  	[smem:$0x3F9F] =	sst s1;
	(tag) =	ssettag s2;
	_ =	strace s9  }
0x27: {  	s1 =	sld [smem:$0x3FAF]  }
0x28: {  	s2 =	sld [smem:$0x3FB0]  }
0x29: {  	s4 =	sld [smem:$0x3FB2]  }
0x2a: {  	p0 =	seq.s32 s5, $0x0;
	s5 =	sld [smem:$0x3FB3]  }
0x2b: {  	s6 =	sld [smem:$0x3FB4]  }
0x2c: {  	s7 =	sld [smem:$0x3FB5]  }
0x2d: {  	s3 =	simm.s32 $0x108;
	s8 =	sld [smem:$0x3FB6]  }
0x2e: {  	s3 =	simm.s32 @!p0 $0x1082;
	s9 =	sld [smem:$0x3FB7]  }
0x2f: {  	lr =	sadd.s32 s0, s3;
	s0 =	sld [smem:$0x3FAE]  }
0x30: {  	s3 =	sld [smem:$0x3FB1]  }
0x31: {  	[smem:$0x3FBA] =	sst s10  }
0x32: {  	s10 =	sld [smem:$0x3FB8];
	_ =	sdelay $0x3  }
0x33: {  	p0 =	seq.s32 s10, $0x1;
	s10 =	sld [smem:$0x3FBA];
	_ =	sdelay $0x3  }
0x34: {  	[smem:$0x3FBA] =	sst s10  }
0x35: {  	s10 =	sld [smem:$0x3FB9];
	_ =	sdelay $0x3  }
0x36: {  	p1 =	seq.s32 s10, $0x1;
	s10 =	sld [smem:$0x3FBA];
	_ =	sdelay $0x3  }
0x37: {  	[smem:$0x3FBA] =	sst s10  }
0x38: {  	s10 =	sld [smem:$0x3FBB]  }
0x39: {  	_ = 	snop;
	(pc) =	sbr.ind lr, $3  }
0x3a: {  	_ = 	snop  }
0x3b: {  	_ = 	snop  }
0x3c: {  	p2 =	seq.s32 s10, $0x1;
	s10 =	sld [smem:$0x3FBA]  }
0x3d: {  	_ =	shalt  }
0x3e: {  	_ =	shalt  }
0x3f: {  	_ =	shalt  }
0x40: {  	_ =	shalt  }
0x41: {  	_ =	shalt  }
0x42: {  	_ =	shalt  }
0x43: {  	_ =	shalt  }
0x44: {  	_ =	shalt  }
0x45: {  	_ =	shalt  }
0x46: {  	_ =	shalt  }
0x47: {  	_ =	shalt  }
0x48: {  	_ =	shalt  }
0x49: {  	_ =	shalt  }
0x4a: {  	_ =	shalt  }
0x4b: {  	_ =	shalt  }
0x4c: {  	_ =	shalt  }
0x4d: {  	_ =	shalt  }
0x4e: {  	_ =	shalt  }
0x4f: {  	_ =	shalt  }
0x50: {  	_ =	shalt  }
0x51: {  	_ =	shalt  }
0x52: {  	_ =	shalt  }
0x53: {  	_ =	shalt  }
0x54: {  	_ =	shalt  }
0x55: {  	_ =	shalt  }
0x56: {  	_ =	shalt  }
0x57: {  	_ =	shalt  }
0x58: {  	_ =	shalt  }
0x59: {  	_ =	shalt  }
0x5a: {  	_ =	shalt  }
0x5b: {  	_ =	shalt  }
0x5c: {  	_ =	shalt  }
0x5d: {  	_ =	shalt  }
0x5e: {  	_ =	shalt  }
0x5f: {  	_ =	shalt  }
0x60: {  	_ =	shalt  }
0x61: {  	_ =	shalt  }
0x62: {  	_ =	shalt  }
0x63: {  	_ =	shalt  }
0x64: {  	_ =	shalt  }
0x65: {  	_ =	shalt  }
0x66: {  	_ =	shalt  }
0x67: {  	_ =	shalt  }
0x68: {  	_ =	shalt  }
0x69: {  	_ =	shalt  }
0x6a: {  	_ =	shalt  }
0x6b: {  	_ =	shalt  }
0x6c: {  	_ =	shalt  }
0x6d: {  	_ =	shalt  }
0x6e: {  	_ =	shalt  }
0x6f: {  	_ =	shalt  }
0x70: {  	_ =	shalt  }
0x71: {  	_ =	shalt  }
0x72: {  	_ =	shalt  }
0x73: {  	_ =	shalt  }
0x74: {  	_ =	shalt  }
0x75: {  	_ =	shalt  }
0x76: {  	_ =	shalt  }
0x77: {  	_ =	shalt  }
0x78: {  	_ =	shalt  }
0x79: {  	_ =	shalt  }
0x7a: {  	_ =	shalt  }
0x7b: {  	_ =	shalt  }
0x7c: {  	_ =	shalt  }
0x7d: {  	_ =	shalt  }
0x7e: {  	_ =	shalt  }
0x7f: {  	_ =	shalt  }
0x80: {  	_ =	shalt  }
0x81: {  	_ =	shalt  }
0x82: {  	_ =	shalt  }
0x83: {  	_ =	shalt  }
0x84: {  	_ =	shalt  }
0x85: {  	_ =	shalt  }
0x86: {  	_ =	shalt  }
0x87: {  	_ =	shalt  }
.Lfunc_end0:
.L_simem_size_0:
called_computation_lowered:
.L_overlay_start_0:
0x88: {  	s2 =	sld [smem:$0x3FD9]  }
0x89: {  	s3 =	sld [smem:$0x3FFE];
	_ =	sdelay $0x1  }
0x8a: {  	s1 =	srdreg.scid  }
0x8b: {  	s0 =	sand.u32 $0x1, s1  }
0x8c: {  	s17 =	sshll.u32 s0, $0xA;
	s2 =	sadd.s32 s3, s2  }
0x8d: {  	s2 =	sadd.s32 s2, s17  }
0x8e: {  	[smem:$0x3FC6] =	sst s2  }
0x8f: {  	_ = 	snop  }
0x90: {  	s2 =	sld [smem:$0x3FC8]  }
0x91: {  	s18 =	sld [smem:$0x3FD0];
	(tm) =	ssettm $0x1  }
0x92: {  	s4 =	sld [smem:$0x3FFB];
	_ =	sdelay $0x3  }
0x93: {  	_ =	strace s4  }
0x94: {  	s4 =	sld [smem:$0x3FFC];
	_ =	sdelay $0x3  }
0x95: {  	_ =	strace s4  }
0x96: {  	s4 =	sld [smem:$0x3FFD];
	_ =	sdelay $0x3  }
0x97: {  	_ =	strace s4  }
0x98: {  	_ =	strace $0x8FFFFFFF  }
0x99: {  	s19 =	sld [smem:$0x3FDB];
	_ =	sdelay $0x1  }
0x9a: {  	s5 =	simm.s32 $_scs_section_size  }
0x9b: {  	s6 =	simm.s32 $_size__tile_overlayer_lowered;
	s7 =	simm.s32 $_tile_overlayer_lowered  }
0x9c: {  	s22 =	simm.s32 $0x1BFF;
	s21 =	sshll.u32 s7, $0x1;
	s4 =	sadd.s32 s5, s19  }
0x9d: {  	s8 =	simm.s32 $0x0;
	s20 =	sshll.u32 s6, $0x1;
	s6 =	sadd.s32 s21, s4  }
0x9e: {  	[timem:s8], [sflag:s22] =	dma.local [hbm:s6], s20  }
0x9f: {  	_ =	swait.ge [sflag:s22], s20  }
0xa0: {  	s5 =	ssub.s32 $0x0, s20;
	[sflag:s22] =	ssyncset.done $0x0  }
0xa1: {  	[sflag:s22] =	ssyncadd.s32 s5;
	_ =	sdelay $0x1  }
0xa2: {  	s23 =	simm.s32 $0x1B8B  }
0xa3: {  	_ =	swait.ge [sflag:s23], $0x1  }
0xa4: {  	[sflag:s23] =	ssyncset.done $0x0  }
0xa5: {  	s25 =	simm.s32 $0x1B8E;
	s24 =	sld [smem:$0x3FFE];
	[sflag:s23] =	ssyncadd.s32 $0xFFFFFFFF  }
0xa6: {  	s26 =	simm.s32 $execute0_lowered;
	[smem:$0x3FD2] =	sst s25  }
0xa7: {  	s6 =	sshll.u32 s26, $0x1;
	_ =	strace $0x80000046;
	[dreg:$0x1] =	wrdreg $0xFFFFFFFF  }
0xa8: {  	s28 =	simm.s32 $_size_execute0_lowered;
	s4 =	sadd.s32 s4, s6;
	[dreg:$0x0] =	wrdreg $0x0  }
0xa9: {  	s6 =	sshll.u32 s28, $0x1;
	[dreg:$0x2] =	wrdreg s4  }
0xaa: {  	[dreg:$0x3] =	wrdreg s6  }
0xab: {  	[dreg:$0x4] =	wrdreg $0xC0  }
0xac: {  	_ =	task [dreg:s8], $0x5FFFF  }
0xad: {  	[dreg:$0x1] =	wrdreg $0xFFFFFFFF  }
0xae: {  	[dreg:$0x0] =	wrdreg $0x60  }
0xaf: {  	[dreg:$0x2] =	wrdreg s24  }
0xb0: {  	[dreg:$0x3] =	wrdreg s2  }
0xb1: {  	[dreg:$0x4] =	wrdreg s18  }
0xb2: {  	[dreg:$0x5] =	wrdreg $0x9  }
0xb3: {  	_ =	task.clear_ibuf [dreg:s8], $0x6FFFF;
	_ =	strace $0x90000046  }
0xb4: {  	s29 =	simm.s32 $0x9;
	_ =	strace $0x80000048  }
0xb5: {  	_ =	swait.ge [sflag:s29], $0x1  }
0xb6: {  	[sflag:s29] =	ssyncadd.s32 $0xFFFFFFFF  }
0xb7: {  	_ =	strace $0x90000048  }
0xb8: {  	_ =	sfence  }
0xb9: {  	s30 =	sld [smem:$0x0];
	_ =	sdelay $0x2  }
0xba: {  	s31 =	sshll.u32 s1, $0xD;
	s1 =	sshrl.u32 s1, $0x2  }
0xbb: {  	s3 =	sand.u32 $0x4000, s31;
	s1 =	sadd.s32 s1, s30  }
0xbc: {  	s0 =	sor.u32 s3, s0;
	s1 =	sshll.u32 s1, $0x11  }
0xbd: {  	s0 =	sor.u32 s1, s0  }
0xbe: {  	s0 =	sadd.s32 $0x8F2B, s0  }
0xbf: {  	[sflag:s0] =	ssyncadd.remote.s32 $0x1  }
0xc0: {  	_ =	sfence.sel $0xFFFF  }
0xc1: {  	[dreg:$0x0] =	wrdreg $0xFFFFFFFF;
	(pc) =	sbr.abs _section_cstart, $3  }
0xc2: {  	[dreg:$0x1] =	wrdreg $0xFFFFFFFF  }
0xc3: {  	_ =	task.clear_ibuf [dreg:s8], $0x2FFFF;
	_ =	strace $0x9FFFFFFF  }
0xc4: {  	(tm) =	ssettm $0x7FFFFFFF  }
0xc5: {  	_ =	shalt  }
tec
execute0_lowered:
.L_overlay_start_1:
0x0: {  	(tag) =	ssettag $0x1  }
0x1: {  	s0 =	rddreg [dreg:$0x0]  }
0x2: {  	s2 =	rddreg [dreg:$0x1];
	s1 =	srdreg.scid  }
0x3: {  	s9 =	stileid.u32;
	s4 =	rddreg [dreg:$0x2]  }
0x4: {  	s20 =	simm.s32 $0x4800;
	s11 =	simm.s32 $0x5000;
	s13 =	simm.s32 $0x5800  }
0x5: {  	s31 =	simm.s32 $0x6000;
	s15 =	simm.s32 $0x6800;
	s16 =	simm.s32 $0x7000  }
0x6: {  	s17 =	simm.s32 $0x7800;
	s18 =	simm.s32 $0x8000;
	s19 =	simm.s32 $0x8800  }
0x7: {  	s14 =	simm.s32 $0x9000;
	s12 =	simm.s32 $0xE000;
	s21 =	simm.s32 $0x1  }
0x8: {  	s28 =	simm.s32 $0x6;
	s29 =	simm.s32 $0x7;
	s30 =	simm.s32 $0x8  }
0x9: {  	s1 =	sand.u32 $0x1, s1;
	s3 =	sshll.u32 s9, $0x1;
	s9 =	sshll.u32 s9, $0x12  }
0xa: {  	s7 =	sor.u32 s1, s3;
	s3 =	simm.s32 $0x0;
	s6 =	ssub.s32 $0x2, s1  }
0xb: {  	s1 =	sshll.u32 s1, $0x11;
	s5 =	sshll.u32 s7, $0xA;
	[smem:$0x7FF] =	sst s3  }
0xc: {  	s22 =	sshrl.u32 s6, $0x1;
	s23 =	sshll.u32 s7, $0x11;
	s7 =	sadd.s32 $0x300, s2  }
0xd: {  	s0 =	sadd.s32 s5, s0;
	_ =	strace $0x80000047;
	s8 =	ssub.s32 s6, s22  }
0xe: {  	s5 =	sadd.s32 $0x100, s2;
	s6 =	sadd.s32 $0x200, s2;
	s0 =	sadd.s32 $0x400, s0  }
0xf: {  	s26 =	smax.u32 s8, $0x1;
	[dreg:$0x5] =	wrdreg s0;
	s0 =	sadd.s32 s23, s4  }
0x10: {  	s22 =	simm.s32 $0x2000;
	[dreg:$0xa] =	wrdreg s26;
	s10 =	sadd.s32 $0x1E000, s0  }
0x11: {  	s8 =	simm.s32 $0x3000;
	s24 =	sadd.s32 $0x1E800, s0;
	[dreg:$0x6] =	wrdreg s10  }
0x12: {  	s4 =	sadd.s32 s9, s4;
	s25 =	sadd.s32 $0x1F000, s0;
	[dreg:$0x7] =	wrdreg s24  }
0x13: {  	s9 =	simm.s32 $0x4000;
	s0 =	sadd.s32 $0x1F800, s0;
	[dreg:$0x8] =	wrdreg s25  }
0x14: {  	s23 =	simm.s32 $0x2;
	s1 =	sadd.s32 s1, s4;
	[dreg:$0x9] =	wrdreg s0  }
0x15: {  	v2 =	vlaneseq.u32;
	s26 =	simm.s32 $0x5;
	s4 =	simm.s32 $0x2800;
	[dreg:$0x4] =	wrdreg s1  }
0x16: {  	vm0 =	vmmov $0xffff;
	v1 =	vshrl.u32 v2, $0x3;
	s1 =	simm.s32 $0x3800;
	s10 =	simm.s32 $0xA000;
	s0 =	simm.s32 $0x0  }
0x17: {  	v0 =	vand.u32 $0x7, v2;
	v2 =	vor.u32 $0x8, v2;
	v1 =	vmul.u32 $0x8, v1;
	s24 =	simm.s32 $0x3;
	s25 =	simm.s32 $0x4;
	[dreg:$0xb] =	wrdreg s0  }
.LBB2_1:
0x18: {  	s0 =	rddreg [dreg:$0x5]  }
0x19: {  	[tilespmem:s3], [sflag:$0x9] =	stream.linear.gather [hbm4b:s0+s3], $0x2000, $0x38;
	[tilespmem:$0x12000] =	vst v63  }
0x1a: {  	s0 =	simm.s32 $0x9  }
0x1b: {  	_ =	swait.ge [sflag:s0], $0x2000  }
0x1c: {  	[sflag:s0] =	ssyncset.done $0x0  }
0x1d: {  	[sflag:s0] =	ssyncadd.s32 $0xFFFFE000  }
0x1e: {  	v3 =	vld [tilespmem:$0x0];
	_ =	sdelay $0x4  }
0x1f: {  	v4 =	vshll.u32 v3, $0x3  }
0x20: {  	v3 =	vand.u32 $0x7, v3;
	v4 =	vand.u32 $0xFFFFFFC0, v4  }
0x21: {  	v3 =	vor.u32 v3, v4  }
0x22: {  	v4 =	vperm.xlane v3, v0;
	_ =	sdelay $0x1  }
0x23: {  	v4 =	vadd.s32 v1, v4;
	_ =	sdelay $0x4  }
0x24: {  	[tilespmem:s22], [sflag:$0x1] =	stream.indirect_vreg.gather [hbm4b:s2+s3], $0x80, v4, vm0, $0xb8;
	[tilespmem:$0x12000] =	vst v63  }
0x25: {  	v3 =	vperm.xlane v3, v2  }
0x26: {  	[tilespmem:s4], [sflag:$0x1] =	stream.indirect_vreg.gather [hbm4b:s5+s3], $0x80, v4, vm0, $0xb8;
	[tilespmem:$0x12000] =	vst v63  }
0x27: {  	v3 =	vadd.s32 v1, v3  }
0x28: {  	[tilespmem:s8], [sflag:$0x1] =	stream.indirect_vreg.gather [hbm4b:s6+s3], $0x80, v4, vm0, $0xb8;
	[tilespmem:$0x12000] =	vst v63  }
0x29: {  	_ = 	snop  }
0x2a: {  	[tilespmem:s1], [sflag:$0x1] =	stream.indirect_vreg.gather [hbm4b:s7+s3], $0x80, v4, vm0, $0xb8;
	[tilespmem:$0x12000] =	vst v63  }
0x2b: {  	_ = 	snop  }
0x2c: {  	[tilespmem:s9], [sflag:$0x1] =	stream.indirect_vreg.gather [hbm4b:s2+s3], $0x80, v3, vm0, $0xb8;
	[tilespmem:$0x12000] =	vst v63  }
0x2d: {  	_ = 	snop  }
0x2e: {  	[tilespmem:s20], [sflag:$0x1] =	stream.indirect_vreg.gather [hbm4b:s5+s3], $0x80, v3, vm0, $0xb8;
	[tilespmem:$0x12000] =	vst v63  }
0x2f: {  	_ = 	snop  }
0x30: {  	[tilespmem:s11], [sflag:$0x1] =	stream.indirect_vreg.gather [hbm4b:s6+s3], $0x80, v3, vm0, $0xb8;
	[tilespmem:$0x12000] =	vst v63  }
0x31: {  	_ = 	snop  }
0x32: {  	[tilespmem:s13], [sflag:$0x1] =	stream.indirect_vreg.gather [hbm4b:s7+s3], $0x80, v3, vm0, $0xb8;
	[tilespmem:$0x12000] =	vst v63  }
0x33: {  	v3 =	vld [tilespmem:$0x80];
	_ =	sdelay $0x4  }
0x34: {  	v61 =	vshll.u32 v3, $0x3  }
0x35: {  	v3 =	vand.u32 $0x7, v3;
	v4 =	vand.u32 $0xFFFFFFC0, v61  }
0x36: {  	v3 =	vor.u32 v3, v4  }
0x37: {  	v4 =	vperm.xlane v3, v0;
	_ =	sdelay $0x1  }
0x38: {  	v4 =	vadd.s32 v1, v4;
	_ =	sdelay $0x4  }
0x39: {  	[tilespmem:s31], [sflag:$0x2] =	stream.indirect_vreg.gather [hbm4b:s2+s3], $0x80, v4, vm0, $0xb8;
	[tilespmem:$0x12000] =	vst v63  }
0x3a: {  	v3 =	vperm.xlane v3, v2  }
0x3b: {  	[tilespmem:s15], [sflag:$0x2] =	stream.indirect_vreg.gather [hbm4b:s5+s3], $0x80, v4, vm0, $0xb8;
	[tilespmem:$0x12000] =	vst v63  }
0x3c: {  	v3 =	vadd.s32 v1, v3  }
0x3d: {  	[tilespmem:s16], [sflag:$0x2] =	stream.indirect_vreg.gather [hbm4b:s6+s3], $0x80, v4, vm0, $0xb8;
	[tilespmem:$0x12000] =	vst v63  }
0x3e: {  	_ = 	snop  }
0x3f: {  	[tilespmem:s17], [sflag:$0x2] =	stream.indirect_vreg.gather [hbm4b:s7+s3], $0x80, v4, vm0, $0xb8;
	[tilespmem:$0x12000] =	vst v63  }
0x40: {  	_ = 	snop  }
0x41: {  	[tilespmem:s18], [sflag:$0x2] =	stream.indirect_vreg.gather [hbm4b:s2+s3], $0x80, v3, vm0, $0xb8;
	[tilespmem:$0x12000] =	vst v63  }
0x42: {  	_ = 	snop  }
0x43: {  	[tilespmem:s19], [sflag:$0x2] =	stream.indirect_vreg.gather [hbm4b:s5+s3], $0x80, v3, vm0, $0xb8;
	[tilespmem:$0x12000] =	vst v63  }
0x44: {  	_ = 	snop  }
0x45: {  	[tilespmem:s14], [sflag:$0x2] =	stream.indirect_vreg.gather [hbm4b:s6+s3], $0x80, v3, vm0, $0xb8;
	[tilespmem:$0x12000] =	vst v63  }
0x46: {  	s11 =	simm.s32 $0x9800  }
0x47: {  	[tilespmem:s11], [sflag:$0x2] =	stream.indirect_vreg.gather [hbm4b:s7+s3], $0x80, v3, vm0, $0xb8;
	[tilespmem:$0x12000] =	vst v63  }
0x48: {  	v3 =	vld [tilespmem:$0x100];
	_ =	sdelay $0x4  }
0x49: {  	v62 =	vshll.u32 v3, $0x3  }
0x4a: {  	v3 =	vand.u32 $0x7, v3;
	v4 =	vand.u32 $0xFFFFFFC0, v62  }
0x4b: {  	v3 =	vor.u32 v3, v4  }
0x4c: {  	v4 =	vperm.xlane v3, v0;
	_ =	sdelay $0x1  }
0x4d: {  	v4 =	vadd.s32 v1, v4;
	_ =	sdelay $0x4  }
0x4e: {  	[tilespmem:s10], [sflag:$0x3] =	stream.indirect_vreg.gather [hbm4b:s2+s3], $0x80, v4, vm0, $0xb8;
	[tilespmem:$0x12000] =	vst v63  }
0x4f: {  	s13 =	simm.s32 $0xA800;
	v3 =	vperm.xlane v3, v2  }
0x50: {  	[tilespmem:s13], [sflag:$0x3] =	stream.indirect_vreg.gather [hbm4b:s5+s3], $0x80, v4, vm0, $0xb8;
	[tilespmem:$0x12000] =	vst v63  }
0x51: {  	s14 =	simm.s32 $0xB000;
	v3 =	vadd.s32 v1, v3  }
0x52: {  	[tilespmem:s14], [sflag:$0x3] =	stream.indirect_vreg.gather [hbm4b:s6+s3], $0x80, v4, vm0, $0xb8;
	[tilespmem:$0x12000] =	vst v63  }
0x53: {  	s15 =	simm.s32 $0xB800  }
0x54: {  	[tilespmem:s15], [sflag:$0x3] =	stream.indirect_vreg.gather [hbm4b:s7+s3], $0x80, v4, vm0, $0xb8;
	[tilespmem:$0x12000] =	vst v63  }
0x55: {  	s16 =	simm.s32 $0xC000  }
0x56: {  	[tilespmem:s16], [sflag:$0x3] =	stream.indirect_vreg.gather [hbm4b:s2+s3], $0x80, v3, vm0, $0xb8;
	[tilespmem:$0x12000] =	vst v63  }
0x57: {  	s17 =	simm.s32 $0xC800  }
0x58: {  	[tilespmem:s17], [sflag:$0x3] =	stream.indirect_vreg.gather [hbm4b:s5+s3], $0x80, v3, vm0, $0xb8;
	[tilespmem:$0x12000] =	vst v63  }
0x59: {  	s18 =	simm.s32 $0xD000  }
0x5a: {  	[tilespmem:s18], [sflag:$0x3] =	stream.indirect_vreg.gather [hbm4b:s6+s3], $0x80, v3, vm0, $0xb8;
	[tilespmem:$0x12000] =	vst v63  }
0x5b: {  	s19 =	simm.s32 $0xD800  }
0x5c: {  	[tilespmem:s19], [sflag:$0x3] =	stream.indirect_vreg.gather [hbm4b:s7+s3], $0x80, v3, vm0, $0xb8;
	[tilespmem:$0x12000] =	vst v63  }
0x5d: {  	v3 =	vld [tilespmem:$0x180];
	_ =	sdelay $0x4  }
0x5e: {  	v63 =	vshll.u32 v3, $0x3  }
0x5f: {  	v3 =	vand.u32 $0x7, v3;
	v4 =	vand.u32 $0xFFFFFFC0, v63  }
0x60: {  	v3 =	vor.u32 v3, v4  }
0x61: {  	v4 =	vperm.xlane v3, v0;
	_ =	sdelay $0x1  }
0x62: {  	v4 =	vadd.s32 v1, v4;
	_ =	sdelay $0x4  }
0x63: {  	[tilespmem:s12], [sflag:$0x4] =	stream.indirect_vreg.gather [hbm4b:s2+s3], $0x80, v4, vm0, $0xb8;
	[tilespmem:$0x12000] =	vst v63  }
0x64: {  	s20 =	simm.s32 $0xE800;
	v3 =	vperm.xlane v3, v2  }
0x65: {  	[tilespmem:s20], [sflag:$0x4] =	stream.indirect_vreg.gather [hbm4b:s5+s3], $0x80, v4, vm0, $0xb8;
	[tilespmem:$0x12000] =	vst v63  }
0x66: {  	s22 =	simm.s32 $0xF000;
	v3 =	vadd.s32 v1, v3  }
0x67: {  	[tilespmem:s22], [sflag:$0x4] =	stream.indirect_vreg.gather [hbm4b:s6+s3], $0x80, v4, vm0, $0xb8;
	[tilespmem:$0x12000] =	vst v63  }
0x68: {  	s31 =	simm.s32 $0xF800  }
0x69: {  	[tilespmem:s31], [sflag:$0x4] =	stream.indirect_vreg.gather [hbm4b:s7+s3], $0x80, v4, vm0, $0xb8;
	[tilespmem:$0x12000] =	vst v63  }
0x6a: {  	s0 =	simm.s32 $0x0;
	s16 =	simm.s32 $0x10000  }
0x6b: {  	[tilespmem:s16], [sflag:$0x4] =	stream.indirect_vreg.gather [hbm4b:s2+s3], $0x80, v3, vm0, $0xb8;
	[tilespmem:$0x12000] =	vst v63  }
0x6c: {  	s1 =	simm.s32 $0x380;
	s9 =	simm.s32 $0x11800;
	s18 =	simm.s32 $0x10800  }
0x6d: {  	[tilespmem:s18], [sflag:$0x4] =	stream.indirect_vreg.gather [hbm4b:s5+s3], $0x80, v3, vm0, $0xb8;
	[tilespmem:$0x12000] =	vst v63  }
0x6e: {  	s11 =	simm.s32 $0x4800;
	s14 =	simm.s32 $0x9000;
	s20 =	simm.s32 $0x11000  }
0x6f: {  	[tilespmem:s20], [sflag:$0x4] =	stream.indirect_vreg.gather [hbm4b:s6+s3], $0x80, v3, vm0, $0xb8;
	[tilespmem:$0x12000] =	vst v63  }
0x70: {  	s15 =	simm.s32 $0x5800;
	s17 =	simm.s32 $0x7000;
	s19 =	simm.s32 $0x8000  }
0x71: {  	[tilespmem:s9], [sflag:$0x4] =	stream.indirect_vreg.gather [hbm4b:s7+s3], $0x80, v3, vm0, $0xb8;
	[tilespmem:$0x12000] =	vst v63  }
.LBB2_2:
0x72: {  	_ =	swait.ge [sflag:s21], $0x4000  }
0x73: {  	s4 =	rddreg [dreg:$0x4];
	[sflag:s21] =	ssyncset.done $0x0  }
0x74: {  	s31 =	simm.s32 $0x2000;
	[sflag:s21] =	ssyncadd.s32 $0xFFFFC000;
	s4 =	sadd.s32 s0, s4  }
0x75: {  	[hbm4b:s4+s3] =	stream.linear.scatter [tilespmem:s31], [sflag:$0x5], $0x4000, $0x38;
	[tilespmem:$0x12000] =	vst v63  }
0x76: {  	_ =	swait.ge [sflag:s23], $0x4000  }
0x77: {  	[sflag:s23] =	ssyncset.done $0x0  }
0x78: {  	s10 =	simm.s32 $0x6000;
	s8 =	sadd.s32 $0x800, s4;
	[sflag:s23] =	ssyncadd.s32 $0xFFFFC000  }
0x79: {  	[hbm4b:s8+s3] =	stream.linear.scatter [tilespmem:s10], [sflag:$0x6], $0x4000, $0x38;
	[tilespmem:$0x12000] =	vst v63  }
0x7a: {  	_ =	swait.ge [sflag:s24], $0x4000  }
0x7b: {  	[sflag:s24] =	ssyncset.done $0x0  }
0x7c: {  	s13 =	simm.s32 $0xA000;
	s22 =	sadd.s32 $0x1000, s4;
	[sflag:s24] =	ssyncadd.s32 $0xFFFFC000  }
0x7d: {  	[hbm4b:s22+s3] =	stream.linear.scatter [tilespmem:s13], [sflag:$0x7], $0x4000, $0x38;
	[tilespmem:$0x12000] =	vst v63  }
0x7e: {  	_ =	swait.ge [sflag:s25], $0x4000  }
0x7f: {  	[sflag:s25] =	ssyncset.done $0x0  }
0x80: {  	s4 =	sadd.s32 $0x1800, s4;
	[sflag:s25] =	ssyncadd.s32 $0xFFFFC000  }
0x81: {  	[hbm4b:s4+s3] =	stream.linear.scatter [tilespmem:s12], [sflag:$0x8], $0x4000, $0x38;
	[tilespmem:$0x12000] =	vst v63  }
0x82: {  	_ =	swait.ge [sflag:s26], $0x4000  }
0x83: {  	[sflag:s26] =	ssyncset.done $0x0  }
0x84: {  	[sflag:s26] =	ssyncadd.s32 $0xFFFFC000  }
0x85: {  	v3 =	vld [tilespmem:s1+$0xFFFFFE80];
	_ =	sdelay $0x4  }
0x86: {  	v4 =	vshll.u32 v3, $0x3  }
0x87: {  	v3 =	vand.u32 $0x7, v3;
	v4 =	vand.u32 $0xFFFFFFC0, v4  }
0x88: {  	v3 =	vor.u32 v3, v4  }
0x89: {  	v4 =	vperm.xlane v3, v0;
	_ =	sdelay $0x1  }
0x8a: {  	v4 =	vadd.s32 v1, v4;
	_ =	sdelay $0x4  }
0x8b: {  	[tilespmem:s31], [sflag:$0x1] =	stream.indirect_vreg.gather [hbm4b:s2+s3], $0x80, v4, vm0, $0xb8;
	[tilespmem:$0x12000] =	vst v63  }
0x8c: {  	s4 =	simm.s32 $0x2800;
	v3 =	vperm.xlane v3, v2  }
0x8d: {  	[tilespmem:s4], [sflag:$0x1] =	stream.indirect_vreg.gather [hbm4b:s5+s3], $0x80, v4, vm0, $0xb8;
	[tilespmem:$0x12000] =	vst v63  }
0x8e: {  	s8 =	simm.s32 $0x3000;
	v3 =	vadd.s32 v1, v3  }
0x8f: {  	[tilespmem:s8], [sflag:$0x1] =	stream.indirect_vreg.gather [hbm4b:s6+s3], $0x80, v4, vm0, $0xb8;
	[tilespmem:$0x12000] =	vst v63  }
0x90: {  	s31 =	simm.s32 $0x3800  }
0x91: {  	[tilespmem:s31], [sflag:$0x1] =	stream.indirect_vreg.gather [hbm4b:s7+s3], $0x80, v4, vm0, $0xb8;
	[tilespmem:$0x12000] =	vst v63  }
0x92: {  	s31 =	simm.s32 $0x4000  }
0x93: {  	[tilespmem:s31], [sflag:$0x1] =	stream.indirect_vreg.gather [hbm4b:s2+s3], $0x80, v3, vm0, $0xb8;
	[tilespmem:$0x12000] =	vst v63  }
0x94: {  	_ = 	snop  }
0x95: {  	[tilespmem:s11], [sflag:$0x1] =	stream.indirect_vreg.gather [hbm4b:s5+s3], $0x80, v3, vm0, $0xb8;
	[tilespmem:$0x12000] =	vst v63  }
0x96: {  	s31 =	simm.s32 $0x5000  }
0x97: {  	[tilespmem:s31], [sflag:$0x1] =	stream.indirect_vreg.gather [hbm4b:s6+s3], $0x80, v3, vm0, $0xb8;
	[tilespmem:$0x12000] =	vst v63  }
0x98: {  	_ = 	snop  }
0x99: {  	[tilespmem:s15], [sflag:$0x1] =	stream.indirect_vreg.gather [hbm4b:s7+s3], $0x80, v3, vm0, $0xb8;
	[tilespmem:$0x12000] =	vst v63  }
0x9a: {  	_ =	swait.ge [sflag:s28], $0x4000  }
0x9b: {  	[sflag:s28] =	ssyncset.done $0x0  }
0x9c: {  	[sflag:s28] =	ssyncadd.s32 $0xFFFFC000  }
0x9d: {  	v3 =	vld [tilespmem:s1+$0xFFFFFF00];
	_ =	sdelay $0x4  }
0x9e: {  	v61 =	vshll.u32 v3, $0x3  }
0x9f: {  	v3 =	vand.u32 $0x7, v3;
	v4 =	vand.u32 $0xFFFFFFC0, v61  }
0xa0: {  	v3 =	vor.u32 v3, v4  }
0xa1: {  	v4 =	vperm.xlane v3, v0;
	_ =	sdelay $0x1  }
0xa2: {  	v4 =	vadd.s32 v1, v4;
	_ =	sdelay $0x4  }
0xa3: {  	[tilespmem:s10], [sflag:$0x2] =	stream.indirect_vreg.gather [hbm4b:s2+s3], $0x80, v4, vm0, $0xb8;
	[tilespmem:$0x12000] =	vst v63  }
0xa4: {  	v3 =	vperm.xlane v3, v2;
	s10 =	simm.s32 $0x6800  }
0xa5: {  	[tilespmem:s10], [sflag:$0x2] =	stream.indirect_vreg.gather [hbm4b:s5+s3], $0x80, v4, vm0, $0xb8;
	[tilespmem:$0x12000] =	vst v63  }
0xa6: {  	v3 =	vadd.s32 v1, v3  }
0xa7: {  	[tilespmem:s17], [sflag:$0x2] =	stream.indirect_vreg.gather [hbm4b:s6+s3], $0x80, v4, vm0, $0xb8;
	[tilespmem:$0x12000] =	vst v63  }
0xa8: {  	s10 =	simm.s32 $0x7800  }
0xa9: {  	[tilespmem:s10], [sflag:$0x2] =	stream.indirect_vreg.gather [hbm4b:s7+s3], $0x80, v4, vm0, $0xb8;
	[tilespmem:$0x12000] =	vst v63  }
0xaa: {  	_ = 	snop  }
0xab: {  	[tilespmem:s19], [sflag:$0x2] =	stream.indirect_vreg.gather [hbm4b:s2+s3], $0x80, v3, vm0, $0xb8;
	[tilespmem:$0x12000] =	vst v63  }
0xac: {  	s10 =	simm.s32 $0x8800  }
0xad: {  	[tilespmem:s10], [sflag:$0x2] =	stream.indirect_vreg.gather [hbm4b:s5+s3], $0x80, v3, vm0, $0xb8;
	[tilespmem:$0x12000] =	vst v63  }
0xae: {  	_ = 	snop  }
0xaf: {  	[tilespmem:s14], [sflag:$0x2] =	stream.indirect_vreg.gather [hbm4b:s6+s3], $0x80, v3, vm0, $0xb8;
	[tilespmem:$0x12000] =	vst v63  }
0xb0: {  	s10 =	simm.s32 $0x9800  }
0xb1: {  	[tilespmem:s10], [sflag:$0x2] =	stream.indirect_vreg.gather [hbm4b:s7+s3], $0x80, v3, vm0, $0xb8;
	[tilespmem:$0x12000] =	vst v63  }
0xb2: {  	_ =	swait.ge [sflag:s29], $0x4000  }
0xb3: {  	[sflag:s29] =	ssyncset.done $0x0  }
0xb4: {  	[sflag:s29] =	ssyncadd.s32 $0xFFFFC000  }
0xb5: {  	v3 =	vld [tilespmem:s1+$0xFFFFFF80];
	_ =	sdelay $0x4  }
0xb6: {  	v62 =	vshll.u32 v3, $0x3  }
0xb7: {  	v3 =	vand.u32 $0x7, v3;
	v4 =	vand.u32 $0xFFFFFFC0, v62  }
0xb8: {  	v3 =	vor.u32 v3, v4  }
0xb9: {  	v4 =	vperm.xlane v3, v0;
	_ =	sdelay $0x1  }
0xba: {  	v4 =	vadd.s32 v1, v4;
	_ =	sdelay $0x4  }
0xbb: {  	[tilespmem:s13], [sflag:$0x3] =	stream.indirect_vreg.gather [hbm4b:s2+s3], $0x80, v4, vm0, $0xb8;
	[tilespmem:$0x12000] =	vst v63  }
0xbc: {  	v3 =	vperm.xlane v3, v2;
	s13 =	simm.s32 $0xA800  }
0xbd: {  	[tilespmem:s13], [sflag:$0x3] =	stream.indirect_vreg.gather [hbm4b:s5+s3], $0x80, v4, vm0, $0xb8;
	[tilespmem:$0x12000] =	vst v63  }
0xbe: {  	v3 =	vadd.s32 v1, v3;
	s13 =	simm.s32 $0xB000  }
0xbf: {  	[tilespmem:s13], [sflag:$0x3] =	stream.indirect_vreg.gather [hbm4b:s6+s3], $0x80, v4, vm0, $0xb8;
	[tilespmem:$0x12000] =	vst v63  }
0xc0: {  	s13 =	simm.s32 $0xB800  }
0xc1: {  	[tilespmem:s13], [sflag:$0x3] =	stream.indirect_vreg.gather [hbm4b:s7+s3], $0x80, v4, vm0, $0xb8;
	[tilespmem:$0x12000] =	vst v63  }
0xc2: {  	s13 =	simm.s32 $0xC000  }
0xc3: {  	[tilespmem:s13], [sflag:$0x3] =	stream.indirect_vreg.gather [hbm4b:s2+s3], $0x80, v3, vm0, $0xb8;
	[tilespmem:$0x12000] =	vst v63  }
0xc4: {  	s13 =	simm.s32 $0xC800  }
0xc5: {  	[tilespmem:s13], [sflag:$0x3] =	stream.indirect_vreg.gather [hbm4b:s5+s3], $0x80, v3, vm0, $0xb8;
	[tilespmem:$0x12000] =	vst v63  }
0xc6: {  	s13 =	simm.s32 $0xD000  }
0xc7: {  	[tilespmem:s13], [sflag:$0x3] =	stream.indirect_vreg.gather [hbm4b:s6+s3], $0x80, v3, vm0, $0xb8;
	[tilespmem:$0x12000] =	vst v63  }
0xc8: {  	s13 =	simm.s32 $0xD800  }
0xc9: {  	[tilespmem:s13], [sflag:$0x3] =	stream.indirect_vreg.gather [hbm4b:s7+s3], $0x80, v3, vm0, $0xb8;
	[tilespmem:$0x12000] =	vst v63  }
0xca: {  	_ =	swait.ge [sflag:s30], $0x4000  }
0xcb: {  	[sflag:s30] =	ssyncset.done $0x0  }
0xcc: {  	[sflag:s30] =	ssyncadd.s32 $0xFFFFC000  }
0xcd: {  	v3 =	vld [tilespmem:s1+$0x0];
	_ =	sdelay $0x4  }
0xce: {  	v63 =	vshll.u32 v3, $0x3  }
0xcf: {  	v3 =	vand.u32 $0x7, v3;
	v4 =	vand.u32 $0xFFFFFFC0, v63  }
0xd0: {  	v3 =	vor.u32 v3, v4  }
0xd1: {  	v4 =	vperm.xlane v3, v0;
	_ =	sdelay $0x1  }
0xd2: {  	v4 =	vadd.s32 v1, v4;
	_ =	sdelay $0x4  }
0xd3: {  	[tilespmem:s12], [sflag:$0x4] =	stream.indirect_vreg.gather [hbm4b:s2+s3], $0x80, v4, vm0, $0xb8;
	[tilespmem:$0x12000] =	vst v63  }
0xd4: {  	s13 =	simm.s32 $0xE800;
	v3 =	vperm.xlane v3, v2  }
0xd5: {  	[tilespmem:s13], [sflag:$0x4] =	stream.indirect_vreg.gather [hbm4b:s5+s3], $0x80, v4, vm0, $0xb8;
	[tilespmem:$0x12000] =	vst v63  }
0xd6: {  	v3 =	vadd.s32 v1, v3;
	s13 =	simm.s32 $0xF000  }
0xd7: {  	[tilespmem:s13], [sflag:$0x4] =	stream.indirect_vreg.gather [hbm4b:s6+s3], $0x80, v4, vm0, $0xb8;
	[tilespmem:$0x12000] =	vst v63  }
0xd8: {  	s13 =	simm.s32 $0xF800  }
0xd9: {  	[tilespmem:s13], [sflag:$0x4] =	stream.indirect_vreg.gather [hbm4b:s7+s3], $0x80, v4, vm0, $0xb8;
	[tilespmem:$0x12000] =	vst v63  }
0xda: {  	_ = 	snop  }
0xdb: {  	[tilespmem:s16], [sflag:$0x4] =	stream.indirect_vreg.gather [hbm4b:s2+s3], $0x80, v3, vm0, $0xb8;
	[tilespmem:$0x12000] =	vst v63  }
0xdc: {  	p0 =	sne.s32 s0, $0x1C000  }
0xdd: {  	[tilespmem:s18], [sflag:$0x4] =	stream.indirect_vreg.gather [hbm4b:s5+s3], $0x80, v3, vm0, $0xb8;
	[tilespmem:$0x12000] =	vst v63  }
.Ltmp0:
0xde: {  	_ = 	snop;
	(pc) =	sbr.rel @p0 .LBB2_2-.Ltmp0, $4  }
0xdf: {  	s0 =	sadd.s32 $0x2000, s0;
	s22 =	simm.s32 $0x2000  }
0xe0: {  	[tilespmem:s20], [sflag:$0x4] =	stream.indirect_vreg.gather [hbm4b:s6+s3], $0x80, v3, vm0, $0xb8;
	[tilespmem:$0x12000] =	vst v63  }
0xe1: {  	s31 =	simm.s32 $0x6000;
	s10 =	simm.s32 $0xA000;
	s1 =	sadd.s32 $0x200, s1  }
0xe2: {  	[tilespmem:s9], [sflag:$0x4] =	stream.indirect_vreg.gather [hbm4b:s7+s3], $0x80, v3, vm0, $0xb8;
	[tilespmem:$0x12000] =	vst v63  }
0xe3: {  	_ =	swait.ge [sflag:s21], $0x4000  }
0xe4: {  	[sflag:s21] =	ssyncset.done $0x0  }
0xe5: {  	s0 =	rddreg [dreg:$0x6];
	[sflag:s21] =	ssyncadd.s32 $0xFFFFC000  }
0xe6: {  	[hbm4b:s0+s3] =	stream.linear.scatter [tilespmem:s22], [sflag:$0x5], $0x4000, $0x38;
	[tilespmem:$0x12000] =	vst v63  }
0xe7: {  	_ =	swait.ge [sflag:s23], $0x4000  }
0xe8: {  	[sflag:s23] =	ssyncset.done $0x0  }
0xe9: {  	s17 =	rddreg [dreg:$0x7];
	[sflag:s23] =	ssyncadd.s32 $0xFFFFC000  }
0xea: {  	[hbm4b:s17+s3] =	stream.linear.scatter [tilespmem:s31], [sflag:$0x6], $0x4000, $0x38;
	[tilespmem:$0x12000] =	vst v63  }
0xeb: {  	_ =	swait.ge [sflag:s24], $0x4000  }
0xec: {  	[sflag:s24] =	ssyncset.done $0x0  }
0xed: {  	s18 =	rddreg [dreg:$0x8];
	[sflag:s24] =	ssyncadd.s32 $0xFFFFC000  }
0xee: {  	[hbm4b:s18+s3] =	stream.linear.scatter [tilespmem:s10], [sflag:$0x7], $0x4000, $0x38;
	[tilespmem:$0x12000] =	vst v63  }
0xef: {  	_ =	swait.ge [sflag:s25], $0x4000  }
0xf0: {  	[sflag:s25] =	ssyncset.done $0x0  }
0xf1: {  	s19 =	rddreg [dreg:$0x9];
	[sflag:s25] =	ssyncadd.s32 $0xFFFFC000  }
0xf2: {  	[hbm4b:s19+s3] =	stream.linear.scatter [tilespmem:s12], [sflag:$0x8], $0x4000, $0x38;
	[tilespmem:$0x12000] =	vst v63  }
0xf3: {  	_ =	swait.ge [sflag:s26], $0x4000  }
0xf4: {  	[sflag:s26] =	ssyncset.done $0x0  }
0xf5: {  	[sflag:s26] =	ssyncadd.s32 $0xFFFFC000  }
0xf6: {  	_ =	swait.ge [sflag:s28], $0x4000  }
0xf7: {  	[sflag:s28] =	ssyncset.done $0x0  }
0xf8: {  	[sflag:s28] =	ssyncadd.s32 $0xFFFFC000  }
0xf9: {  	_ =	swait.ge [sflag:s29], $0x4000  }
0xfa: {  	[sflag:s29] =	ssyncset.done $0x0  }
0xfb: {  	[sflag:s29] =	ssyncadd.s32 $0xFFFFC000  }
0xfc: {  	_ =	swait.ge [sflag:s30], $0x4000  }
0xfd: {  	s1 =	rddreg [dreg:$0xb]  }
0xfe: {  	s20 =	rddreg [dreg:$0xa];
	s1 =	sadd.s32 $0x1, s1  }
0xff: {  	p0 =	sne.s32 s1, s20  }
.Ltmp1:
0x100: {  	s9 =	simm.s32 $0x4000;
	s11 =	simm.s32 $0x5000;
	(pc) =	sbr.rel @p0 .LBB2_1-.Ltmp1, $4  }
0x101: {  	s13 =	simm.s32 $0x5800;
	s15 =	simm.s32 $0x6800;
	s16 =	simm.s32 $0x7000  }
0x102: {  	s14 =	simm.s32 $0x9000;
	s17 =	simm.s32 $0x7800;
	[sflag:s30] =	ssyncset.done $0x0  }
0x103: {  	s18 =	simm.s32 $0x8000;
	s19 =	simm.s32 $0x8800;
	[sflag:s30] =	ssyncadd.s32 $0xFFFFC000  }
0x104: {  	[dreg:$0xb] =	wrdreg s1;
	s1 =	simm.s32 $0x3800;
	s20 =	simm.s32 $0x4800  }
0x105: {  	_ =	sfence.sel $0x180000  }
0x106: {  	[bflag:$0x0] =	sbarrier.arrive $0xFFFF  }
0x107: {  	_ =	strace $0x90000047  }
0x108: {  	s0 =	stileid.u32;
	[bflag:$0x2] =	sbarrier.arrive $0xFFFF  }
0x109: {  	p0 =	sne.s32 s0, $0x0;
	s0 =	rddreg [dreg:$0x3]  }
0x10a: {  	s0 =	sadd.s32 @!p0 $0x100000, s0  }
0x10b: {  	[sflag:s0] =	ssyncadd.tile.s32 @!p0 $0x1;
	_ =	shalt  }
.Lfunc_end2:
_tile_overlayer_lowered:
.L_overlay_start_2:
0x10c: {  	(tag) =	ssettag $0x2  }
0x10d: {  	s0 =	rddreg [dreg:$0x0];
	s2 =	stileid.u32  }
0x10e: {  	s1 =	rddreg [dreg:$0x1];
	p0 =	sne.s32 s2, $0x0  }
0x10f: {  	s3 =	rddreg [dreg:$0x2];
	[bflag:$0x3] =	sbarrier.arrive $0xFFFF;
	s2 =	simm.s32 @!p0 $0x1C09  }
0x110: {  	[timem:s3], [sflag:s2] =	dma.local @!p0 [hbm:s0], s1  }
0x111: {  	s0 =	simm.s32 @!p0 $0x9  }
0x112: {  	_ =	swait.ge @!p0 [sflag:s0], s1  }
0x113: {  	s1 =	ssub.s32 @!p0 $0x0, s1;
	[sflag:s0] =	ssyncset.done @!p0 $0x0  }
0x114: {  	[sflag:s0] =	ssyncadd.s32 @!p0 s1  }
0x115: {  	[bflag:$0x3] =	sbarrier.arrive $0xFFFF  }
0x116: {  	_ =	shalt  }

</sc_bundles>
